<compile_context>
chip_gen: v7x
topology: tpu7x:2x2x1
jax: 0.10.2.dev20260603
libtpu: 0.0.44.dev20260713+nightly
codegen_flags: <defaults>
</compile_context>

<pallas_src>
import jax
import jax.numpy as jnp
from jax import lax
from jax.experimental import pallas as pl
from jax.experimental.pallas import tpu as pltpu
from jax.experimental.pallas import tpu_sc as plsc

N_DRUG = 572
N_REL = 67
EMB = 128
NEIGH = 256

ROWS_W = 24
N_PAD = 576
CHUNKS = NEIGH // 16
A_CHUNKS = N_PAD // 16


def _tc_proj_kernel(x_ref, wa_ref, rela_ref, wlin_ref, b_ref, ent_ref,
                    rel_ref, tail_ref, eqr_ref, self_ref, m2_ref, pk_ref):
    x = x_ref[...]
    zpad = jnp.zeros((N_PAD - N_DRUG, EMB), jnp.float32)
    q = jnp.dot(x, wa_ref[...], preferred_element_type=jnp.float32)
    eqr = jnp.exp(lax.dot_general(
        q, rela_ref[...], (((1,), (1,)), ((), ())),
        preferred_element_type=jnp.float32))
    eqr_ref[:N_DRUG, :N_REL] = eqr
    selfc = jnp.dot(x, wlin_ref[EMB:, :],
                    preferred_element_type=jnp.float32) + b_ref[...]
    self_ref[...] = jnp.concatenate([selfc, zpad], axis=0)
    m2 = jnp.dot(ent_ref[...], wlin_ref[:EMB, :],
                 preferred_element_type=jnp.float32)
    m2_ref[...] = jnp.concatenate([m2, zpad], axis=0)
    pk = (rel_ref[...] << 10) | tail_ref[...]
    pk_ref[...] = jnp.concatenate(
        [pk, jnp.zeros((N_PAD - N_DRUG, NEIGH), jnp.int32)], axis=0)


def _sc_attn_kernel(eqr_hbm, pk_hbm, a_hbm, eqr_v, pk_v, a_v, sem):
    wid = lax.axis_index("s") * 2 + lax.axis_index("c")
    base = wid * ROWS_W

    @pl.when(base < N_DRUG)
    def _work():
        cq = pltpu.async_copy(eqr_hbm.at[pl.ds(base, ROWS_W)], eqr_v, sem)
        cp = pltpu.async_copy(pk_hbm.at[pl.ds(base, ROWS_W)], pk_v, sem)

        zeros16 = jnp.zeros((16,), jnp.float32)

        def zero_body(r, _):
            for j in range(A_CHUNKS):
                a_v[r, pl.ds(j * 16, 16)] = zeros16
            return 0

        lax.fori_loop(0, ROWS_W, zero_body, 0)
        cq.wait()
        cp.wait()

        def row_body(r, _):
            rsplat = jnp.full((16,), r, jnp.int32)
            ts, es = [], []
            for j in range(CHUNKS):
                p = pk_v[r, pl.ds(j * 16, 16)]
                ts.append(p & 1023)
                es.append(plsc.load_gather(eqr_v, [rsplat, p >> 10]))
            for j in range(CHUNKS):
                plsc.addupdate_scatter(a_v, [rsplat, ts[j]], es[j])
            return 0

        outs = []
        for k in range(3):
            lax.fori_loop(k * 8, (k + 1) * 8, row_body, 0)
            outs.append(pltpu.async_copy(
                a_v.at[pl.ds(k * 8, 8)],
                a_hbm.at[pl.ds(base + k * 8, 8)], sem))
        for c in outs:
            c.wait()


def _tc_out_kernel(a_ref, m2_ref, self_ref, g_ref, b_ref, o_ref):
    a = a_ref[...]
    denom = jnp.sum(a, axis=1, keepdims=True)
    h = jnp.dot(a, m2_ref[...], preferred_element_type=jnp.float32)
    h = jnp.maximum(h / denom + self_ref[...], 0.0)
    rows = lax.broadcasted_iota(jnp.int32, (N_PAD, 1), 0)
    mask = rows < N_DRUG
    hm = jnp.where(mask, h, 0.0)
    mean = jnp.sum(hm, axis=0, keepdims=True) * (1.0 / N_DRUG)
    d = jnp.where(mask, h - mean, 0.0)
    var = jnp.sum(d * d, axis=0, keepdims=True) * (1.0 / N_DRUG)
    o = g_ref[...] * (h - mean) * lax.rsqrt(var + 1e-5) + b_ref[...]
    o_ref[...] = o[:N_DRUG]


def kernel(drug_name, adj_tail, adj_relation, drug_table, rela_table,
           ent_table, Wa, W_lin, b_lin, gamma, beta):
    f32 = jnp.float32
    eqr, selfc, m2, pk = pl.pallas_call(
        _tc_proj_kernel,
        out_shape=[jax.ShapeDtypeStruct((N_PAD, EMB), f32),
                   jax.ShapeDtypeStruct((N_PAD, EMB), f32),
                   jax.ShapeDtypeStruct((N_PAD, EMB), f32),
                   jax.ShapeDtypeStruct((N_PAD, NEIGH), jnp.int32)],
    )(drug_table, Wa, rela_table, W_lin, b_lin.reshape(1, EMB), ent_table,
      adj_relation.astype(jnp.int32), adj_tail.astype(jnp.int32))

    mesh = plsc.VectorSubcoreMesh(core_axis_name="c", subcore_axis_name="s")
    a_mat = pl.kernel(
        _sc_attn_kernel,
        out_type=jax.ShapeDtypeStruct((N_PAD, N_PAD), f32),
        mesh=mesh,
        compiler_params=pltpu.CompilerParams(needs_layout_passes=False),
        scratch_types=[
            pltpu.VMEM((ROWS_W, EMB), f32),
            pltpu.VMEM((ROWS_W, NEIGH), jnp.int32),
            pltpu.VMEM((ROWS_W, N_PAD), f32),
            pltpu.SemaphoreType.DMA,
        ],
    )(eqr, pk)

    return pl.pallas_call(
        _tc_out_kernel,
        out_shape=jax.ShapeDtypeStruct((N_DRUG, EMB), f32),
    )(a_mat, m2, selfc, gamma.reshape(1, EMB), beta.reshape(1, EMB))

# --- scband reference (transcript-rebuilt; emitter-appended) ---
"""Pipeline reference for scband-gnn3-79783312490854 (READ-ONLY COPY).

The authoritative reference and input builder live on the scoring server;
editing this copy changes nothing except your own understanding.
"""

import jax, jax.numpy as jnp
import numpy as np

N_DRUG = 572
N_REL = 67
EMB = 128
NEIGH = 256

def setup_inputs(seed: int = 0) -> dict:
    key = jax.random.key(seed)
    ks = jax.random.split(key, 12)
    drug_name = jnp.arange(N_DRUG, dtype=jnp.int64) if jax.config.jax_enable_x64 else jnp.arange(N_DRUG, dtype=jnp.int32)
    adj_tail = jax.random.randint(ks[0], (N_DRUG, NEIGH), 0, N_DRUG)
    adj_relation = jax.random.randint(ks[1], (N_DRUG, NEIGH), 0, N_REL)
    drug_table = jax.random.normal(ks[2], (N_DRUG, EMB), dtype=jnp.float32) * 0.02
    rela_table = jax.random.normal(ks[3], (N_REL, EMB), dtype=jnp.float32) * 0.02
    ent_table = jax.random.normal(ks[4], (N_DRUG, EMB), dtype=jnp.float32) * 0.02
    Wa = jax.random.normal(ks[5], (EMB, EMB), dtype=jnp.float32) * (1.0 / np.sqrt(EMB))
    W_lin = jax.random.normal(ks[6], (2 * EMB, EMB), dtype=jnp.float32) * (1.0 / np.sqrt(2 * EMB))
    b_lin = jnp.zeros((EMB,), dtype=jnp.float32)
    gamma = jnp.ones((EMB,), dtype=jnp.float32)
    beta = jnp.zeros((EMB,), dtype=jnp.float32)
    return {"drug_name": drug_name, "adj_tail": adj_tail, "adj_relation": adj_relation,
            "drug_table": drug_table, "rela_table": rela_table, "ent_table": ent_table,
            "Wa": Wa, "W_lin": W_lin, "b_lin": b_lin, "gamma": gamma, "beta": beta}

def reference(drug_name, adj_tail, adj_relation, drug_table, rela_table, ent_table, Wa, W_lin, b_lin, gamma, beta):
    # embedding lookups (gathers)
    drug_emb = jnp.take(drug_table, drug_name, axis=0)          # [N, d]
    rela_emb = jnp.take(rela_table, adj_relation, axis=0)        # [N, S, d]
    ent_emb = jnp.take(ent_table, adj_tail, axis=0)              # [N, S, d]
    # attention over sampled neighbors (relation-conditioned)
    q = drug_emb @ Wa                                            # [N, d]
    scores = jnp.sum(q[:, None, :] * rela_emb, axis=-1)          # [N, S]
    w = jax.nn.softmax(scores, axis=1)                           # [N, S]
    attended = jnp.sum(w[:, :, None] * ent_emb, axis=1)          # [N, d]
    # concat + Linear + ReLU + BatchNorm1d (training-mode batch stats)
    drug_e = jnp.concatenate([attended, drug_emb], axis=1)       # [N, 2d]
    h = drug_e @ W_lin + b_lin                                   # [N, d]
    h = jax.nn.relu(h)
    mean = jnp.mean(h, axis=0)
    var = jnp.var(h, axis=0)
    drug_f = gamma * (h - mean) / jnp.sqrt(var + 1e-5) + beta
    return drug_f

if __name__ == "__main__":
    import jax
    _d = setup_inputs()
    print(jax.jit(kernel)(*tuple(_d.values())))

</pallas_src>

<mosaic_0001>
#map = affine_map<(d0, d1) -> (0, 0)>
module attributes {stable_mosaic.version = 14 : i64} {
  func.func @_sc_attn_kernel(%arg0: i32, %arg1: i32, %arg2: memref<576x128xf32, #tpu.memory_space<hbm>>, %arg3: memref<576x256xi32, #tpu.memory_space<hbm>>, %arg4: memref<576x576xf32, #tpu.memory_space<hbm>>, %arg5: memref<24x128xf32, #tpu.memory_space<vmem>>, %arg6: memref<24x256xi32, #tpu.memory_space<vmem>>, %arg7: memref<24x576xf32, #tpu.memory_space<vmem>>, %arg8: memref<!tpu.dma_semaphore, #tpu.memory_space<semaphore_mem>>) attributes {dimension_semantics = [#tpu.dimension_semantics<core_parallel>, #tpu.dimension_semantics<subcore_parallel>], iteration_bounds = array<i64: 2, 16>, scalar_prefetch = 0 : i64, scratch_operands = 4 : i64, tpu.core_type = #tpu.core_type<sc_vector_subcore>, window_params = [{transform_indices = #map}, {transform_indices = #map}, {transform_indices = #map}]} {
    %mul3A = arith.constant 2 : i32
    %mul3A_0 = arith.muli %arg1, %mul3A : i32
    %add3A = arith.addi %mul3A_0, %arg0 : i32
    %mul3A_1 = arith.constant 24 : i32
    %mul3A_2 = arith.muli %add3A, %mul3A_1 : i32
    %lt3A = arith.constant 572 : i32
    %lt3A_3 = arith.cmpi slt, %mul3A_2, %lt3A : i32
    %convert_element_type3A = arith.extui %lt3A_3 : i1 to i32
    %cond3A = arith.constant 0 : i32
    %cond3A_4 = arith.cmpi ne, %convert_element_type3A, %cond3A : i32
    scf.if %cond3A_4 {
      %dma_start3A = arith.constant 0 : i32
      %dma_start3A_5 = tpu.memref_slice %arg2[%mul3A_2, %dma_start3A] : memref<576x128xf32, #tpu.memory_space<hbm>> -> memref<24x128xf32, #tpu.memory_space<hbm>>
      %dma_start3A_6 = arith.constant 0 : i32
      %dma_start3A_7 = tpu.memref_slice %arg2[%mul3A_2, %dma_start3A_6] : memref<576x128xf32, #tpu.memory_space<hbm>> -> memref<24x128xf32, #tpu.memory_space<hbm>>
      tpu.enqueue_dma source(%dma_start3A_7 : memref<24x128xf32, #tpu.memory_space<hbm>>) target(%arg5 : memref<24x128xf32, #tpu.memory_space<vmem>>) target_semaphore(%arg8 : memref<!tpu.dma_semaphore, #tpu.memory_space<semaphore_mem>>)
      %dma_start3A_8 = arith.constant 0 : i32
      %dma_start3A_9 = tpu.memref_slice %arg3[%mul3A_2, %dma_start3A_8] : memref<576x256xi32, #tpu.memory_space<hbm>> -> memref<24x256xi32, #tpu.memory_space<hbm>>
      %dma_start3A_10 = arith.constant 0 : i32
      %dma_start3A_11 = tpu.memref_slice %arg3[%mul3A_2, %dma_start3A_10] : memref<576x256xi32, #tpu.memory_space<hbm>> -> memref<24x256xi32, #tpu.memory_space<hbm>>
      tpu.enqueue_dma source(%dma_start3A_11 : memref<24x256xi32, #tpu.memory_space<hbm>>) target(%arg6 : memref<24x256xi32, #tpu.memory_space<vmem>>) target_semaphore(%arg8 : memref<!tpu.dma_semaphore, #tpu.memory_space<semaphore_mem>>)
      %broadcast_in_dim3A = arith.constant 0.000000e+00 : f32
      %broadcast_in_dim3A_12 = vector.broadcast %broadcast_in_dim3A : f32 to vector<16xf32>
      %scan3A = arith.constant 0 : i32
      %scan3A_13 = arith.constant 0 : i32
      %scan3A_14 = arith.constant 24 : i32
      %scan3A_15 = arith.addi %scan3A_13, %scan3A_14 : i32
      %scan3A_16 = arith.constant 1 : i32
      %scan3A_17 = scf.for %scan3A_113 = %scan3A_13 to %scan3A_15 step %scan3A_16 iter_args(%scan3A_114 = %scan3A) -> (i32)  : i32 {
        %swap3A = arith.index_cast %scan3A_113 : i32 to index
        %swap3A_115 = arith.constant 0 : index
        %swap3A_116 = tpu.vector_load %arg7[%swap3A, %swap3A_115] {strides = array<i32>} : memref<24x576xf32, #tpu.memory_space<vmem>>, vector<16xf32>,
        tpu.vector_store %arg7[%swap3A, %swap3A_115], %broadcast_in_dim3A_12 {strides = array<i32>} : memref<24x576xf32, #tpu.memory_space<vmem>>, vector<16xf32>,
        %swap3A_117 = arith.index_cast %scan3A_113 : i32 to index
        %swap3A_118 = arith.constant 16 : index
        %swap3A_119 = tpu.vector_load %arg7[%swap3A_117, %swap3A_118] {strides = array<i32>} : memref<24x576xf32, #tpu.memory_space<vmem>>, vector<16xf32>,
        tpu.vector_store %arg7[%swap3A_117, %swap3A_118], %broadcast_in_dim3A_12 {strides = array<i32>} : memref<24x576xf32, #tpu.memory_space<vmem>>, vector<16xf32>,
        %swap3A_120 = arith.index_cast %scan3A_113 : i32 to index
        %swap3A_121 = arith.constant 32 : index
        %swap3A_122 = tpu.vector_load %arg7[%swap3A_120, %swap3A_121] {strides = array<i32>} : memref<24x576xf32, #tpu.memory_space<vmem>>, vector<16xf32>,
        tpu.vector_store %arg7[%swap3A_120, %swap3A_121], %broadcast_in_dim3A_12 {strides = array<i32>} : memref<24x576xf32, #tpu.memory_space<vmem>>, vector<16xf32>,
        %swap3A_123 = arith.index_cast %scan3A_113 : i32 to index
        %swap3A_124 = arith.constant 48 : index
        %swap3A_125 = tpu.vector_load %arg7[%swap3A_123, %swap3A_124] {strides = array<i32>} : memref<24x576xf32, #tpu.memory_space<vmem>>, vector<16xf32>,
        tpu.vector_store %arg7[%swap3A_123, %swap3A_124], %broadcast_in_dim3A_12 {strides = array<i32>} : memref<24x576xf32, #tpu.memory_space<vmem>>, vector<16xf32>,
        %swap3A_126 = arith.index_cast %scan3A_113 : i32 to index
        %swap3A_127 = arith.constant 64 : index
        %swap3A_128 = tpu.vector_load %arg7[%swap3A_126, %swap3A_127] {strides = array<i32>} : memref<24x576xf32, #tpu.memory_space<vmem>>, vector<16xf32>,
        tpu.vector_store %arg7[%swap3A_126, %swap3A_127], %broadcast_in_dim3A_12 {strides = array<i32>} : memref<24x576xf32, #tpu.memory_space<vmem>>, vector<16xf32>,
        %swap3A_129 = arith.index_cast %scan3A_113 : i32 to index
        %swap3A_130 = arith.constant 80 : index
        %swap3A_131 = tpu.vector_load %arg7[%swap3A_129, %swap3A_130] {strides = array<i32>} : memref<24x576xf32, #tpu.memory_space<vmem>>, vector<16xf32>,
        tpu.vector_store %arg7[%swap3A_129, %swap3A_130], %broadcast_in_dim3A_12 {strides = array<i32>} : memref<24x576xf32, #tpu.memory_space<vmem>>, vector<16xf32>,
        %swap3A_132 = arith.index_cast %scan3A_113 : i32 to index
        %swap3A_133 = arith.constant 96 : index
        %swap3A_134 = tpu.vector_load %arg7[%swap3A_132, %swap3A_133] {strides = array<i32>} : memref<24x576xf32, #tpu.memory_space<vmem>>, vector<16xf32>,
        tpu.vector_store %arg7[%swap3A_132, %swap3A_133], %broadcast_in_dim3A_12 {strides = array<i32>} : memref<24x576xf32, #tpu.memory_space<vmem>>, vector<16xf32>,
        %swap3A_135 = arith.index_cast %scan3A_113 : i32 to index
        %swap3A_136 = arith.constant 112 : index
        %swap3A_137 = tpu.vector_load %arg7[%swap3A_135, %swap3A_136] {strides = array<i32>} : memref<24x576xf32, #tpu.memory_space<vmem>>, vector<16xf32>,
        tpu.vector_store %arg7[%swap3A_135, %swap3A_136], %broadcast_in_dim3A_12 {strides = array<i32>} : memref<24x576xf32, #tpu.memory_space<vmem>>, vector<16xf32>,
        %swap3A_138 = arith.index_cast %scan3A_113 : i32 to index
        %swap3A_139 = arith.constant 128 : index
        %swap3A_140 = tpu.vector_load %arg7[%swap3A_138, %swap3A_139] {strides = array<i32>} : memref<24x576xf32, #tpu.memory_space<vmem>>, vector<16xf32>,
        tpu.vector_store %arg7[%swap3A_138, %swap3A_139], %broadcast_in_dim3A_12 {strides = array<i32>} : memref<24x576xf32, #tpu.memory_space<vmem>>, vector<16xf32>,
        %swap3A_141 = arith.index_cast %scan3A_113 : i32 to index
        %swap3A_142 = arith.constant 144 : index
        %swap3A_143 = tpu.vector_load %arg7[%swap3A_141, %swap3A_142] {strides = array<i32>} : memref<24x576xf32, #tpu.memory_space<vmem>>, vector<16xf32>,
        tpu.vector_store %arg7[%swap3A_141, %swap3A_142], %broadcast_in_dim3A_12 {strides = array<i32>} : memref<24x576xf32, #tpu.memory_space<vmem>>, vector<16xf32>,
        %swap3A_144 = arith.index_cast %scan3A_113 : i32 to index
        %swap3A_145 = arith.constant 160 : index
        %swap3A_146 = tpu.vector_load %arg7[%swap3A_144, %swap3A_145] {strides = array<i32>} : memref<24x576xf32, #tpu.memory_space<vmem>>, vector<16xf32>,
        tpu.vector_store %arg7[%swap3A_144, %swap3A_145], %broadcast_in_dim3A_12 {strides = array<i32>} : memref<24x576xf32, #tpu.memory_space<vmem>>, vector<16xf32>,
        %swap3A_147 = arith.index_cast %scan3A_113 : i32 to index
        %swap3A_148 = arith.constant 176 : index
        %swap3A_149 = tpu.vector_load %arg7[%swap3A_147, %swap3A_148] {strides = array<i32>} : memref<24x576xf32, #tpu.memory_space<vmem>>, vector<16xf32>,
        tpu.vector_store %arg7[%swap3A_147, %swap3A_148], %broadcast_in_dim3A_12 {strides = array<i32>} : memref<24x576xf32, #tpu.memory_space<vmem>>, vector<16xf32>,
        %swap3A_150 = arith.index_cast %scan3A_113 : i32 to index
        %swap3A_151 = arith.constant 192 : index
        %swap3A_152 = tpu.vector_load %arg7[%swap3A_150, %swap3A_151] {strides = array<i32>} : memref<24x576xf32, #tpu.memory_space<vmem>>, vector<16xf32>,
        tpu.vector_store %arg7[%swap3A_150, %swap3A_151], %broadcast_in_dim3A_12 {strides = array<i32>} : memref<24x576xf32, #tpu.memory_space<vmem>>, vector<16xf32>,
        %swap3A_153 = arith.index_cast %scan3A_113 : i32 to index
        %swap3A_154 = arith.constant 208 : index
        %swap3A_155 = tpu.vector_load %arg7[%swap3A_153, %swap3A_154] {strides = array<i32>} : memref<24x576xf32, #tpu.memory_space<vmem>>, vector<16xf32>,
        tpu.vector_store %arg7[%swap3A_153, %swap3A_154], %broadcast_in_dim3A_12 {strides = array<i32>} : memref<24x576xf32, #tpu.memory_space<vmem>>, vector<16xf32>,
        %swap3A_156 = arith.index_cast %scan3A_113 : i32 to index
        %swap3A_157 = arith.constant 224 : index
        %swap3A_158 = tpu.vector_load %arg7[%swap3A_156, %swap3A_157] {strides = array<i32>} : memref<24x576xf32, #tpu.memory_space<vmem>>, vector<16xf32>,
        tpu.vector_store %arg7[%swap3A_156, %swap3A_157], %broadcast_in_dim3A_12 {strides = array<i32>} : memref<24x576xf32, #tpu.memory_space<vmem>>, vector<16xf32>,
        %swap3A_159 = arith.index_cast %scan3A_113 : i32 to index
        %swap3A_160 = arith.constant 240 : index
        %swap3A_161 = tpu.vector_load %arg7[%swap3A_159, %swap3A_160] {strides = array<i32>} : memref<24x576xf32, #tpu.memory_space<vmem>>, vector<16xf32>,
        tpu.vector_store %arg7[%swap3A_159, %swap3A_160], %broadcast_in_dim3A_12 {strides = array<i32>} : memref<24x576xf32, #tpu.memory_space<vmem>>, vector<16xf32>,
        %swap3A_162 = arith.index_cast %scan3A_113 : i32 to index
        %swap3A_163 = arith.constant 256 : index
        %swap3A_164 = tpu.vector_load %arg7[%swap3A_162, %swap3A_163] {strides = array<i32>} : memref<24x576xf32, #tpu.memory_space<vmem>>, vector<16xf32>,
        tpu.vector_store %arg7[%swap3A_162, %swap3A_163], %broadcast_in_dim3A_12 {strides = array<i32>} : memref<24x576xf32, #tpu.memory_space<vmem>>, vector<16xf32>,
        %swap3A_165 = arith.index_cast %scan3A_113 : i32 to index
        %swap3A_166 = arith.constant 272 : index
        %swap3A_167 = tpu.vector_load %arg7[%swap3A_165, %swap3A_166] {strides = array<i32>} : memref<24x576xf32, #tpu.memory_space<vmem>>, vector<16xf32>,
        tpu.vector_store %arg7[%swap3A_165, %swap3A_166], %broadcast_in_dim3A_12 {strides = array<i32>} : memref<24x576xf32, #tpu.memory_space<vmem>>, vector<16xf32>,
        %swap3A_168 = arith.index_cast %scan3A_113 : i32 to index
        %swap3A_169 = arith.constant 288 : index
        %swap3A_170 = tpu.vector_load %arg7[%swap3A_168, %swap3A_169] {strides = array<i32>} : memref<24x576xf32, #tpu.memory_space<vmem>>, vector<16xf32>,
        tpu.vector_store %arg7[%swap3A_168, %swap3A_169], %broadcast_in_dim3A_12 {strides = array<i32>} : memref<24x576xf32, #tpu.memory_space<vmem>>, vector<16xf32>,
        %swap3A_171 = arith.index_cast %scan3A_113 : i32 to index
        %swap3A_172 = arith.constant 304 : index
        %swap3A_173 = tpu.vector_load %arg7[%swap3A_171, %swap3A_172] {strides = array<i32>} : memref<24x576xf32, #tpu.memory_space<vmem>>, vector<16xf32>,
        tpu.vector_store %arg7[%swap3A_171, %swap3A_172], %broadcast_in_dim3A_12 {strides = array<i32>} : memref<24x576xf32, #tpu.memory_space<vmem>>, vector<16xf32>,
        %swap3A_174 = arith.index_cast %scan3A_113 : i32 to index
        %swap3A_175 = arith.constant 320 : index
        %swap3A_176 = tpu.vector_load %arg7[%swap3A_174, %swap3A_175] {strides = array<i32>} : memref<24x576xf32, #tpu.memory_space<vmem>>, vector<16xf32>,
        tpu.vector_store %arg7[%swap3A_174, %swap3A_175], %broadcast_in_dim3A_12 {strides = array<i32>} : memref<24x576xf32, #tpu.memory_space<vmem>>, vector<16xf32>,
        %swap3A_177 = arith.index_cast %scan3A_113 : i32 to index
        %swap3A_178 = arith.constant 336 : index
        %swap3A_179 = tpu.vector_load %arg7[%swap3A_177, %swap3A_178] {strides = array<i32>} : memref<24x576xf32, #tpu.memory_space<vmem>>, vector<16xf32>,
        tpu.vector_store %arg7[%swap3A_177, %swap3A_178], %broadcast_in_dim3A_12 {strides = array<i32>} : memref<24x576xf32, #tpu.memory_space<vmem>>, vector<16xf32>,
        %swap3A_180 = arith.index_cast %scan3A_113 : i32 to index
        %swap3A_181 = arith.constant 352 : index
        %swap3A_182 = tpu.vector_load %arg7[%swap3A_180, %swap3A_181] {strides = array<i32>} : memref<24x576xf32, #tpu.memory_space<vmem>>, vector<16xf32>,
        tpu.vector_store %arg7[%swap3A_180, %swap3A_181], %broadcast_in_dim3A_12 {strides = array<i32>} : memref<24x576xf32, #tpu.memory_space<vmem>>, vector<16xf32>,
        %swap3A_183 = arith.index_cast %scan3A_113 : i32 to index
        %swap3A_184 = arith.constant 368 : index
        %swap3A_185 = tpu.vector_load %arg7[%swap3A_183, %swap3A_184] {strides = array<i32>} : memref<24x576xf32, #tpu.memory_space<vmem>>, vector<16xf32>,
        tpu.vector_store %arg7[%swap3A_183, %swap3A_184], %broadcast_in_dim3A_12 {strides = array<i32>} : memref<24x576xf32, #tpu.memory_space<vmem>>, vector<16xf32>,
        %swap3A_186 = arith.index_cast %scan3A_113 : i32 to index
        %swap3A_187 = arith.constant 384 : index
        %swap3A_188 = tpu.vector_load %arg7[%swap3A_186, %swap3A_187] {strides = array<i32>} : memref<24x576xf32, #tpu.memory_space<vmem>>, vector<16xf32>,
        tpu.vector_store %arg7[%swap3A_186, %swap3A_187], %broadcast_in_dim3A_12 {strides = array<i32>} : memref<24x576xf32, #tpu.memory_space<vmem>>, vector<16xf32>,
        %swap3A_189 = arith.index_cast %scan3A_113 : i32 to index
        %swap3A_190 = arith.constant 400 : index
        %swap3A_191 = tpu.vector_load %arg7[%swap3A_189, %swap3A_190] {strides = array<i32>} : memref<24x576xf32, #tpu.memory_space<vmem>>, vector<16xf32>,
        tpu.vector_store %arg7[%swap3A_189, %swap3A_190], %broadcast_in_dim3A_12 {strides = array<i32>} : memref<24x576xf32, #tpu.memory_space<vmem>>, vector<16xf32>,
        %swap3A_192 = arith.index_cast %scan3A_113 : i32 to index
        %swap3A_193 = arith.constant 416 : index
        %swap3A_194 = tpu.vector_load %arg7[%swap3A_192, %swap3A_193] {strides = array<i32>} : memref<24x576xf32, #tpu.memory_space<vmem>>, vector<16xf32>,
        tpu.vector_store %arg7[%swap3A_192, %swap3A_193], %broadcast_in_dim3A_12 {strides = array<i32>} : memref<24x576xf32, #tpu.memory_space<vmem>>, vector<16xf32>,
        %swap3A_195 = arith.index_cast %scan3A_113 : i32 to index
        %swap3A_196 = arith.constant 432 : index
        %swap3A_197 = tpu.vector_load %arg7[%swap3A_195, %swap3A_196] {strides = array<i32>} : memref<24x576xf32, #tpu.memory_space<vmem>>, vector<16xf32>,
        tpu.vector_store %arg7[%swap3A_195, %swap3A_196], %broadcast_in_dim3A_12 {strides = array<i32>} : memref<24x576xf32, #tpu.memory_space<vmem>>, vector<16xf32>,
        %swap3A_198 = arith.index_cast %scan3A_113 : i32 to index
        %swap3A_199 = arith.constant 448 : index
        %swap3A_200 = tpu.vector_load %arg7[%swap3A_198, %swap3A_199] {strides = array<i32>} : memref<24x576xf32, #tpu.memory_space<vmem>>, vector<16xf32>,
        tpu.vector_store %arg7[%swap3A_198, %swap3A_199], %broadcast_in_dim3A_12 {strides = array<i32>} : memref<24x576xf32, #tpu.memory_space<vmem>>, vector<16xf32>,
        %swap3A_201 = arith.index_cast %scan3A_113 : i32 to index
        %swap3A_202 = arith.constant 464 : index
        %swap3A_203 = tpu.vector_load %arg7[%swap3A_201, %swap3A_202] {strides = array<i32>} : memref<24x576xf32, #tpu.memory_space<vmem>>, vector<16xf32>,
        tpu.vector_store %arg7[%swap3A_201, %swap3A_202], %broadcast_in_dim3A_12 {strides = array<i32>} : memref<24x576xf32, #tpu.memory_space<vmem>>, vector<16xf32>,
        %swap3A_204 = arith.index_cast %scan3A_113 : i32 to index
        %swap3A_205 = arith.constant 480 : index
        %swap3A_206 = tpu.vector_load %arg7[%swap3A_204, %swap3A_205] {strides = array<i32>} : memref<24x576xf32, #tpu.memory_space<vmem>>, vector<16xf32>,
        tpu.vector_store %arg7[%swap3A_204, %swap3A_205], %broadcast_in_dim3A_12 {strides = array<i32>} : memref<24x576xf32, #tpu.memory_space<vmem>>, vector<16xf32>,
        %swap3A_207 = arith.index_cast %scan3A_113 : i32 to index
        %swap3A_208 = arith.constant 496 : index
        %swap3A_209 = tpu.vector_load %arg7[%swap3A_207, %swap3A_208] {strides = array<i32>} : memref<24x576xf32, #tpu.memory_space<vmem>>, vector<16xf32>,
        tpu.vector_store %arg7[%swap3A_207, %swap3A_208], %broadcast_in_dim3A_12 {strides = array<i32>} : memref<24x576xf32, #tpu.memory_space<vmem>>, vector<16xf32>,
        %swap3A_210 = arith.index_cast %scan3A_113 : i32 to index
        %swap3A_211 = arith.constant 512 : index
        %swap3A_212 = tpu.vector_load %arg7[%swap3A_210, %swap3A_211] {strides = array<i32>} : memref<24x576xf32, #tpu.memory_space<vmem>>, vector<16xf32>,
        tpu.vector_store %arg7[%swap3A_210, %swap3A_211], %broadcast_in_dim3A_12 {strides = array<i32>} : memref<24x576xf32, #tpu.memory_space<vmem>>, vector<16xf32>,
        %swap3A_213 = arith.index_cast %scan3A_113 : i32 to index
        %swap3A_214 = arith.constant 528 : index
        %swap3A_215 = tpu.vector_load %arg7[%swap3A_213, %swap3A_214] {strides = array<i32>} : memref<24x576xf32, #tpu.memory_space<vmem>>, vector<16xf32>,
        tpu.vector_store %arg7[%swap3A_213, %swap3A_214], %broadcast_in_dim3A_12 {strides = array<i32>} : memref<24x576xf32, #tpu.memory_space<vmem>>, vector<16xf32>,
        %swap3A_216 = arith.index_cast %scan3A_113 : i32 to index
        %swap3A_217 = arith.constant 544 : index
        %swap3A_218 = tpu.vector_load %arg7[%swap3A_216, %swap3A_217] {strides = array<i32>} : memref<24x576xf32, #tpu.memory_space<vmem>>, vector<16xf32>,
        tpu.vector_store %arg7[%swap3A_216, %swap3A_217], %broadcast_in_dim3A_12 {strides = array<i32>} : memref<24x576xf32, #tpu.memory_space<vmem>>, vector<16xf32>,
        %swap3A_219 = arith.index_cast %scan3A_113 : i32 to index
        %swap3A_220 = arith.constant 560 : index
        %swap3A_221 = tpu.vector_load %arg7[%swap3A_219, %swap3A_220] {strides = array<i32>} : memref<24x576xf32, #tpu.memory_space<vmem>>, vector<16xf32>,
        tpu.vector_store %arg7[%swap3A_219, %swap3A_220], %broadcast_in_dim3A_12 {strides = array<i32>} : memref<24x576xf32, #tpu.memory_space<vmem>>, vector<16xf32>,
        %scan3A_222 = arith.constant 0 : i32
        scf.yield %scan3A_222 : i32
      }
      %scan3A_18 = arith.constant 24 : i32
      %dma_wait3A = arith.constant 0 : i32
      %dma_wait3A_19 = tpu.memref_slice %arg2[%mul3A_2, %dma_wait3A] : memref<576x128xf32, #tpu.memory_space<hbm>> -> memref<24x128xf32, #tpu.memory_space<hbm>>
      %dma_wait3A_20 = arith.constant 0 : i32
      %dma_wait3A_21 = tpu.memref_slice %arg2[%mul3A_2, %dma_wait3A_20] : memref<576x128xf32, #tpu.memory_space<hbm>> -> memref<24x128xf32, #tpu.memory_space<hbm>>
      tpu.wait_dma2 semaphore(%arg8 : memref<!tpu.dma_semaphore, #tpu.memory_space<semaphore_mem>>) src(%dma_wait3A_21 : memref<24x128xf32, #tpu.memory_space<hbm>>) dst(%arg5 : memref<24x128xf32, #tpu.memory_space<vmem>>)
      %dma_wait3A_22 = arith.constant 0 : i32
      %dma_wait3A_23 = tpu.memref_slice %arg3[%mul3A_2, %dma_wait3A_22] : memref<576x256xi32, #tpu.memory_space<hbm>> -> memref<24x256xi32, #tpu.memory_space<hbm>>
      %dma_wait3A_24 = arith.constant 0 : i32
      %dma_wait3A_25 = tpu.memref_slice %arg3[%mul3A_2, %dma_wait3A_24] : memref<576x256xi32, #tpu.memory_space<hbm>> -> memref<24x256xi32, #tpu.memory_space<hbm>>
      tpu.wait_dma2 semaphore(%arg8 : memref<!tpu.dma_semaphore, #tpu.memory_space<semaphore_mem>>) src(%dma_wait3A_25 : memref<24x256xi32, #tpu.memory_space<hbm>>) dst(%arg6 : memref<24x256xi32, #tpu.memory_space<vmem>>)
      %scan3A_26 = arith.constant 0 : i32
      %scan3A_27 = arith.constant 0 : i32
      %scan3A_28 = arith.constant 8 : i32
      %scan3A_29 = arith.addi %scan3A_27, %scan3A_28 : i32
      %scan3A_30 = arith.constant 1 : i32
      %scan3A_31 = scf.for %scan3A_113 = %scan3A_27 to %scan3A_29 step %scan3A_30 iter_args(%scan3A_114 = %scan3A_26) -> (i32)  : i32 {
        %broadcast_in_dim3A_115 = vector.broadcast %scan3A_113 : i32 to vector<16xi32>
        %get3A = arith.index_cast %scan3A_113 : i32 to index
        %get3A_116 = arith.constant 0 : index
        %get3A_117 = tpu.vector_load %arg6[%get3A, %get3A_116] {strides = array<i32>} : memref<24x256xi32, #tpu.memory_space<vmem>>, vector<16xi32>,
        %and3A = arith.constant 1023 : i32
        %and3A_118 = vector.broadcast %and3A : i32 to vector<16xi32>
        %and3A_119 = arith.andi %get3A_117, %and3A_118 : vector<16xi32>
        %shift_right_arithmetic3A = arith.constant 10 : i32
        %shift_right_arithmetic3A_120 = vector.broadcast %shift_right_arithmetic3A : i32 to vector<16xi32>
        %shift_right_arithmetic3A_121 = arith.shrsi %get3A_117, %shift_right_arithmetic3A_120 : vector<16xi32>
        %gather3A = tpu.vector_load_idx %arg5[%broadcast_in_dim3A_115, %shift_right_arithmetic3A_121] : memref<24x128xf32, #tpu.memory_space<vmem>>[vector<16xi32>, vector<16xi32>], vector<16xf32>,
        %get3A_122 = arith.index_cast %scan3A_113 : i32 to index
        %get3A_123 = arith.constant 16 : index
        %get3A_124 = tpu.vector_load %arg6[%get3A_122, %get3A_123] {strides = array<i32>} : memref<24x256xi32, #tpu.memory_space<vmem>>, vector<16xi32>,
        %and3A_125 = arith.constant 1023 : i32
        %and3A_126 = vector.broadcast %and3A_125 : i32 to vector<16xi32>
        %and3A_127 = arith.andi %get3A_124, %and3A_126 : vector<16xi32>
        %shift_right_arithmetic3A_128 = arith.constant 10 : i32
        %shift_right_arithmetic3A_129 = vector.broadcast %shift_right_arithmetic3A_128 : i32 to vector<16xi32>
        %shift_right_arithmetic3A_130 = arith.shrsi %get3A_124, %shift_right_arithmetic3A_129 : vector<16xi32>
        %gather3A_131 = tpu.vector_load_idx %arg5[%broadcast_in_dim3A_115, %shift_right_arithmetic3A_130] : memref<24x128xf32, #tpu.memory_space<vmem>>[vector<16xi32>, vector<16xi32>], vector<16xf32>,
        %get3A_132 = arith.index_cast %scan3A_113 : i32 to index
        %get3A_133 = arith.constant 32 : index
        %get3A_134 = tpu.vector_load %arg6[%get3A_132, %get3A_133] {strides = array<i32>} : memref<24x256xi32, #tpu.memory_space<vmem>>, vector<16xi32>,
        %and3A_135 = arith.constant 1023 : i32
        %and3A_136 = vector.broadcast %and3A_135 : i32 to vector<16xi32>
        %and3A_137 = arith.andi %get3A_134, %and3A_136 : vector<16xi32>
        %shift_right_arithmetic3A_138 = arith.constant 10 : i32
        %shift_right_arithmetic3A_139 = vector.broadcast %shift_right_arithmetic3A_138 : i32 to vector<16xi32>
        %shift_right_arithmetic3A_140 = arith.shrsi %get3A_134, %shift_right_arithmetic3A_139 : vector<16xi32>
        %gather3A_141 = tpu.vector_load_idx %arg5[%broadcast_in_dim3A_115, %shift_right_arithmetic3A_140] : memref<24x128xf32, #tpu.memory_space<vmem>>[vector<16xi32>, vector<16xi32>], vector<16xf32>,
        %get3A_142 = arith.index_cast %scan3A_113 : i32 to index
        %get3A_143 = arith.constant 48 : index
        %get3A_144 = tpu.vector_load %arg6[%get3A_142, %get3A_143] {strides = array<i32>} : memref<24x256xi32, #tpu.memory_space<vmem>>, vector<16xi32>,
        %and3A_145 = arith.constant 1023 : i32
        %and3A_146 = vector.broadcast %and3A_145 : i32 to vector<16xi32>
        %and3A_147 = arith.andi %get3A_144, %and3A_146 : vector<16xi32>
        %shift_right_arithmetic3A_148 = arith.constant 10 : i32
        %shift_right_arithmetic3A_149 = vector.broadcast %shift_right_arithmetic3A_148 : i32 to vector<16xi32>
        %shift_right_arithmetic3A_150 = arith.shrsi %get3A_144, %shift_right_arithmetic3A_149 : vector<16xi32>
        %gather3A_151 = tpu.vector_load_idx %arg5[%broadcast_in_dim3A_115, %shift_right_arithmetic3A_150] : memref<24x128xf32, #tpu.memory_space<vmem>>[vector<16xi32>, vector<16xi32>], vector<16xf32>,
        %get3A_152 = arith.index_cast %scan3A_113 : i32 to index
        %get3A_153 = arith.constant 64 : index
        %get3A_154 = tpu.vector_load %arg6[%get3A_152, %get3A_153] {strides = array<i32>} : memref<24x256xi32, #tpu.memory_space<vmem>>, vector<16xi32>,
        %and3A_155 = arith.constant 1023 : i32
        %and3A_156 = vector.broadcast %and3A_155 : i32 to vector<16xi32>
        %and3A_157 = arith.andi %get3A_154, %and3A_156 : vector<16xi32>
        %shift_right_arithmetic3A_158 = arith.constant 10 : i32
        %shift_right_arithmetic3A_159 = vector.broadcast %shift_right_arithmetic3A_158 : i32 to vector<16xi32>
        %shift_right_arithmetic3A_160 = arith.shrsi %get3A_154, %shift_right_arithmetic3A_159 : vector<16xi32>
        %gather3A_161 = tpu.vector_load_idx %arg5[%broadcast_in_dim3A_115, %shift_right_arithmetic3A_160] : memref<24x128xf32, #tpu.memory_space<vmem>>[vector<16xi32>, vector<16xi32>], vector<16xf32>,
        %get3A_162 = arith.index_cast %scan3A_113 : i32 to index
        %get3A_163 = arith.constant 80 : index
        %get3A_164 = tpu.vector_load %arg6[%get3A_162, %get3A_163] {strides = array<i32>} : memref<24x256xi32, #tpu.memory_space<vmem>>, vector<16xi32>,
        %and3A_165 = arith.constant 1023 : i32
        %and3A_166 = vector.broadcast %and3A_165 : i32 to vector<16xi32>
        %and3A_167 = arith.andi %get3A_164, %and3A_166 : vector<16xi32>
        %shift_right_arithmetic3A_168 = arith.constant 10 : i32
        %shift_right_arithmetic3A_169 = vector.broadcast %shift_right_arithmetic3A_168 : i32 to vector<16xi32>
        %shift_right_arithmetic3A_170 = arith.shrsi %get3A_164, %shift_right_arithmetic3A_169 : vector<16xi32>
        %gather3A_171 = tpu.vector_load_idx %arg5[%broadcast_in_dim3A_115, %shift_right_arithmetic3A_170] : memref<24x128xf32, #tpu.memory_space<vmem>>[vector<16xi32>, vector<16xi32>], vector<16xf32>,
        %get3A_172 = arith.index_cast %scan3A_113 : i32 to index
        %get3A_173 = arith.constant 96 : index
        %get3A_174 = tpu.vector_load %arg6[%get3A_172, %get3A_173] {strides = array<i32>} : memref<24x256xi32, #tpu.memory_space<vmem>>, vector<16xi32>,
        %and3A_175 = arith.constant 1023 : i32
        %and3A_176 = vector.broadcast %and3A_175 : i32 to vector<16xi32>
        %and3A_177 = arith.andi %get3A_174, %and3A_176 : vector<16xi32>
        %shift_right_arithmetic3A_178 = arith.constant 10 : i32
        %shift_right_arithmetic3A_179 = vector.broadcast %shift_right_arithmetic3A_178 : i32 to vector<16xi32>
        %shift_right_arithmetic3A_180 = arith.shrsi %get3A_174, %shift_right_arithmetic3A_179 : vector<16xi32>
        %gather3A_181 = tpu.vector_load_idx %arg5[%broadcast_in_dim3A_115, %shift_right_arithmetic3A_180] : memref<24x128xf32, #tpu.memory_space<vmem>>[vector<16xi32>, vector<16xi32>], vector<16xf32>,
        %get3A_182 = arith.index_cast %scan3A_113 : i32 to index
        %get3A_183 = arith.constant 112 : index
        %get3A_184 = tpu.vector_load %arg6[%get3A_182, %get3A_183] {strides = array<i32>} : memref<24x256xi32, #tpu.memory_space<vmem>>, vector<16xi32>,
        %and3A_185 = arith.constant 1023 : i32
        %and3A_186 = vector.broadcast %and3A_185 : i32 to vector<16xi32>
        %and3A_187 = arith.andi %get3A_184, %and3A_186 : vector<16xi32>
        %shift_right_arithmetic3A_188 = arith.constant 10 : i32
        %shift_right_arithmetic3A_189 = vector.broadcast %shift_right_arithmetic3A_188 : i32 to vector<16xi32>
        %shift_right_arithmetic3A_190 = arith.shrsi %get3A_184, %shift_right_arithmetic3A_189 : vector<16xi32>
        %gather3A_191 = tpu.vector_load_idx %arg5[%broadcast_in_dim3A_115, %shift_right_arithmetic3A_190] : memref<24x128xf32, #tpu.memory_space<vmem>>[vector<16xi32>, vector<16xi32>], vector<16xf32>,
        %get3A_192 = arith.index_cast %scan3A_113 : i32 to index
        %get3A_193 = arith.constant 128 : index
        %get3A_194 = tpu.vector_load %arg6[%get3A_192, %get3A_193] {strides = array<i32>} : memref<24x256xi32, #tpu.memory_space<vmem>>, vector<16xi32>,
        %and3A_195 = arith.constant 1023 : i32
        %and3A_196 = vector.broadcast %and3A_195 : i32 to vector<16xi32>
        %and3A_197 = arith.andi %get3A_194, %and3A_196 : vector<16xi32>
        %shift_right_arithmetic3A_198 = arith.constant 10 : i32
        %shift_right_arithmetic3A_199 = vector.broadcast %shift_right_arithmetic3A_198 : i32 to vector<16xi32>
        %shift_right_arithmetic3A_200 = arith.shrsi %get3A_194, %shift_right_arithmetic3A_199 : vector<16xi32>
        %gather3A_201 = tpu.vector_load_idx %arg5[%broadcast_in_dim3A_115, %shift_right_arithmetic3A_200] : memref<24x128xf32, #tpu.memory_space<vmem>>[vector<16xi32>, vector<16xi32>], vector<16xf32>,
        %get3A_202 = arith.index_cast %scan3A_113 : i32 to index
        %get3A_203 = arith.constant 144 : index
        %get3A_204 = tpu.vector_load %arg6[%get3A_202, %get3A_203] {strides = array<i32>} : memref<24x256xi32, #tpu.memory_space<vmem>>, vector<16xi32>,
        %and3A_205 = arith.constant 1023 : i32
        %and3A_206 = vector.broadcast %and3A_205 : i32 to vector<16xi32>
        %and3A_207 = arith.andi %get3A_204, %and3A_206 : vector<16xi32>
        %shift_right_arithmetic3A_208 = arith.constant 10 : i32
        %shift_right_arithmetic3A_209 = vector.broadcast %shift_right_arithmetic3A_208 : i32 to vector<16xi32>
        %shift_right_arithmetic3A_210 = arith.shrsi %get3A_204, %shift_right_arithmetic3A_209 : vector<16xi32>
        %gather3A_211 = tpu.vector_load_idx %arg5[%broadcast_in_dim3A_115, %shift_right_arithmetic3A_210] : memref<24x128xf32, #tpu.memory_space<vmem>>[vector<16xi32>, vector<16xi32>], vector<16xf32>,
        %get3A_212 = arith.index_cast %scan3A_113 : i32 to index
        %get3A_213 = arith.constant 160 : index
        %get3A_214 = tpu.vector_load %arg6[%get3A_212, %get3A_213] {strides = array<i32>} : memref<24x256xi32, #tpu.memory_space<vmem>>, vector<16xi32>,
        %and3A_215 = arith.constant 1023 : i32
        %and3A_216 = vector.broadcast %and3A_215 : i32 to vector<16xi32>
        %and3A_217 = arith.andi %get3A_214, %and3A_216 : vector<16xi32>
        %shift_right_arithmetic3A_218 = arith.constant 10 : i32
        %shift_right_arithmetic3A_219 = vector.broadcast %shift_right_arithmetic3A_218 : i32 to vector<16xi32>
        %shift_right_arithmetic3A_220 = arith.shrsi %get3A_214, %shift_right_arithmetic3A_219 : vector<16xi32>
        %gather3A_221 = tpu.vector_load_idx %arg5[%broadcast_in_dim3A_115, %shift_right_arithmetic3A_220] : memref<24x128xf32, #tpu.memory_space<vmem>>[vector<16xi32>, vector<16xi32>], vector<16xf32>,
        %get3A_222 = arith.index_cast %scan3A_113 : i32 to index
        %get3A_223 = arith.constant 176 : index
        %get3A_224 = tpu.vector_load %arg6[%get3A_222, %get3A_223] {strides = array<i32>} : memref<24x256xi32, #tpu.memory_space<vmem>>, vector<16xi32>,
        %and3A_225 = arith.constant 1023 : i32
        %and3A_226 = vector.broadcast %and3A_225 : i32 to vector<16xi32>
        %and3A_227 = arith.andi %get3A_224, %and3A_226 : vector<16xi32>
        %shift_right_arithmetic3A_228 = arith.constant 10 : i32
        %shift_right_arithmetic3A_229 = vector.broadcast %shift_right_arithmetic3A_228 : i32 to vector<16xi32>
        %shift_right_arithmetic3A_230 = arith.shrsi %get3A_224, %shift_right_arithmetic3A_229 : vector<16xi32>
        %gather3A_231 = tpu.vector_load_idx %arg5[%broadcast_in_dim3A_115, %shift_right_arithmetic3A_230] : memref<24x128xf32, #tpu.memory_space<vmem>>[vector<16xi32>, vector<16xi32>], vector<16xf32>,
        %get3A_232 = arith.index_cast %scan3A_113 : i32 to index
        %get3A_233 = arith.constant 192 : index
        %get3A_234 = tpu.vector_load %arg6[%get3A_232, %get3A_233] {strides = array<i32>} : memref<24x256xi32, #tpu.memory_space<vmem>>, vector<16xi32>,
        %and3A_235 = arith.constant 1023 : i32
        %and3A_236 = vector.broadcast %and3A_235 : i32 to vector<16xi32>
        %and3A_237 = arith.andi %get3A_234, %and3A_236 : vector<16xi32>
        %shift_right_arithmetic3A_238 = arith.constant 10 : i32
        %shift_right_arithmetic3A_239 = vector.broadcast %shift_right_arithmetic3A_238 : i32 to vector<16xi32>
        %shift_right_arithmetic3A_240 = arith.shrsi %get3A_234, %shift_right_arithmetic3A_239 : vector<16xi32>
        %gather3A_241 = tpu.vector_load_idx %arg5[%broadcast_in_dim3A_115, %shift_right_arithmetic3A_240] : memref<24x128xf32, #tpu.memory_space<vmem>>[vector<16xi32>, vector<16xi32>], vector<16xf32>,
        %get3A_242 = arith.index_cast %scan3A_113 : i32 to index
        %get3A_243 = arith.constant 208 : index
        %get3A_244 = tpu.vector_load %arg6[%get3A_242, %get3A_243] {strides = array<i32>} : memref<24x256xi32, #tpu.memory_space<vmem>>, vector<16xi32>,
        %and3A_245 = arith.constant 1023 : i32
        %and3A_246 = vector.broadcast %and3A_245 : i32 to vector<16xi32>
        %and3A_247 = arith.andi %get3A_244, %and3A_246 : vector<16xi32>
        %shift_right_arithmetic3A_248 = arith.constant 10 : i32
        %shift_right_arithmetic3A_249 = vector.broadcast %shift_right_arithmetic3A_248 : i32 to vector<16xi32>
        %shift_right_arithmetic3A_250 = arith.shrsi %get3A_244, %shift_right_arithmetic3A_249 : vector<16xi32>
        %gather3A_251 = tpu.vector_load_idx %arg5[%broadcast_in_dim3A_115, %shift_right_arithmetic3A_250] : memref<24x128xf32, #tpu.memory_space<vmem>>[vector<16xi32>, vector<16xi32>], vector<16xf32>,
        %get3A_252 = arith.index_cast %scan3A_113 : i32 to index
        %get3A_253 = arith.constant 224 : index
        %get3A_254 = tpu.vector_load %arg6[%get3A_252, %get3A_253] {strides = array<i32>} : memref<24x256xi32, #tpu.memory_space<vmem>>, vector<16xi32>,
        %and3A_255 = arith.constant 1023 : i32
        %and3A_256 = vector.broadcast %and3A_255 : i32 to vector<16xi32>
        %and3A_257 = arith.andi %get3A_254, %and3A_256 : vector<16xi32>
        %shift_right_arithmetic3A_258 = arith.constant 10 : i32
        %shift_right_arithmetic3A_259 = vector.broadcast %shift_right_arithmetic3A_258 : i32 to vector<16xi32>
        %shift_right_arithmetic3A_260 = arith.shrsi %get3A_254, %shift_right_arithmetic3A_259 : vector<16xi32>
        %gather3A_261 = tpu.vector_load_idx %arg5[%broadcast_in_dim3A_115, %shift_right_arithmetic3A_260] : memref<24x128xf32, #tpu.memory_space<vmem>>[vector<16xi32>, vector<16xi32>], vector<16xf32>,
        %get3A_262 = arith.index_cast %scan3A_113 : i32 to index
        %get3A_263 = arith.constant 240 : index
        %get3A_264 = tpu.vector_load %arg6[%get3A_262, %get3A_263] {strides = array<i32>} : memref<24x256xi32, #tpu.memory_space<vmem>>, vector<16xi32>,
        %and3A_265 = arith.constant 1023 : i32
        %and3A_266 = vector.broadcast %and3A_265 : i32 to vector<16xi32>
        %and3A_267 = arith.andi %get3A_264, %and3A_266 : vector<16xi32>
        %shift_right_arithmetic3A_268 = arith.constant 10 : i32
        %shift_right_arithmetic3A_269 = vector.broadcast %shift_right_arithmetic3A_268 : i32 to vector<16xi32>
        %shift_right_arithmetic3A_270 = arith.shrsi %get3A_264, %shift_right_arithmetic3A_269 : vector<16xi32>
        %gather3A_271 = tpu.vector_load_idx %arg5[%broadcast_in_dim3A_115, %shift_right_arithmetic3A_270] : memref<24x128xf32, #tpu.memory_space<vmem>>[vector<16xi32>, vector<16xi32>], vector<16xf32>,
        tpu.vector_store_idx %arg7[%broadcast_in_dim3A_115, %and3A_119], %gather3A {add = true} : memref<24x576xf32, #tpu.memory_space<vmem>>[vector<16xi32>, vector<16xi32>], vector<16xf32>,
        tpu.vector_store_idx %arg7[%broadcast_in_dim3A_115, %and3A_127], %gather3A_131 {add = true} : memref<24x576xf32, #tpu.memory_space<vmem>>[vector<16xi32>, vector<16xi32>], vector<16xf32>,
        tpu.vector_store_idx %arg7[%broadcast_in_dim3A_115, %and3A_137], %gather3A_141 {add = true} : memref<24x576xf32, #tpu.memory_space<vmem>>[vector<16xi32>, vector<16xi32>], vector<16xf32>,
        tpu.vector_store_idx %arg7[%broadcast_in_dim3A_115, %and3A_147], %gather3A_151 {add = true} : memref<24x576xf32, #tpu.memory_space<vmem>>[vector<16xi32>, vector<16xi32>], vector<16xf32>,
        tpu.vector_store_idx %arg7[%broadcast_in_dim3A_115, %and3A_157], %gather3A_161 {add = true} : memref<24x576xf32, #tpu.memory_space<vmem>>[vector<16xi32>, vector<16xi32>], vector<16xf32>,
        tpu.vector_store_idx %arg7[%broadcast_in_dim3A_115, %and3A_167], %gather3A_171 {add = true} : memref<24x576xf32, #tpu.memory_space<vmem>>[vector<16xi32>, vector<16xi32>], vector<16xf32>,
        tpu.vector_store_idx %arg7[%broadcast_in_dim3A_115, %and3A_177], %gather3A_181 {add = true} : memref<24x576xf32, #tpu.memory_space<vmem>>[vector<16xi32>, vector<16xi32>], vector<16xf32>,
        tpu.vector_store_idx %arg7[%broadcast_in_dim3A_115, %and3A_187], %gather3A_191 {add = true} : memref<24x576xf32, #tpu.memory_space<vmem>>[vector<16xi32>, vector<16xi32>], vector<16xf32>,
        tpu.vector_store_idx %arg7[%broadcast_in_dim3A_115, %and3A_197], %gather3A_201 {add = true} : memref<24x576xf32, #tpu.memory_space<vmem>>[vector<16xi32>, vector<16xi32>], vector<16xf32>,
        tpu.vector_store_idx %arg7[%broadcast_in_dim3A_115, %and3A_207], %gather3A_211 {add = true} : memref<24x576xf32, #tpu.memory_space<vmem>>[vector<16xi32>, vector<16xi32>], vector<16xf32>,
        tpu.vector_store_idx %arg7[%broadcast_in_dim3A_115, %and3A_217], %gather3A_221 {add = true} : memref<24x576xf32, #tpu.memory_space<vmem>>[vector<16xi32>, vector<16xi32>], vector<16xf32>,
        tpu.vector_store_idx %arg7[%broadcast_in_dim3A_115, %and3A_227], %gather3A_231 {add = true} : memref<24x576xf32, #tpu.memory_space<vmem>>[vector<16xi32>, vector<16xi32>], vector<16xf32>,
        tpu.vector_store_idx %arg7[%broadcast_in_dim3A_115, %and3A_237], %gather3A_241 {add = true} : memref<24x576xf32, #tpu.memory_space<vmem>>[vector<16xi32>, vector<16xi32>], vector<16xf32>,
        tpu.vector_store_idx %arg7[%broadcast_in_dim3A_115, %and3A_247], %gather3A_251 {add = true} : memref<24x576xf32, #tpu.memory_space<vmem>>[vector<16xi32>, vector<16xi32>], vector<16xf32>,
        tpu.vector_store_idx %arg7[%broadcast_in_dim3A_115, %and3A_257], %gather3A_261 {add = true} : memref<24x576xf32, #tpu.memory_space<vmem>>[vector<16xi32>, vector<16xi32>], vector<16xf32>,
        tpu.vector_store_idx %arg7[%broadcast_in_dim3A_115, %and3A_267], %gather3A_271 {add = true} : memref<24x576xf32, #tpu.memory_space<vmem>>[vector<16xi32>, vector<16xi32>], vector<16xf32>,
        %scan3A_272 = arith.constant 0 : i32
        scf.yield %scan3A_272 : i32
      }
      %scan3A_32 = arith.constant 8 : i32
      %add3A_33 = arith.constant 0 : i32
      %add3A_34 = arith.addi %mul3A_2, %add3A_33 : i32
      %dma_start3A_35 = arith.constant 0 : i32
      %dma_start3A_36 = arith.constant 0 : i32
      %dma_start3A_37 = tpu.memref_slice %arg7[%dma_start3A_35, %dma_start3A_36] : memref<24x576xf32, #tpu.memory_space<vmem>> -> memref<8x576xf32, #tpu.memory_space<vmem>>
      %dma_start3A_38 = arith.constant 0 : i32
      %dma_start3A_39 = tpu.memref_slice %arg4[%add3A_34, %dma_start3A_38] : memref<576x576xf32, #tpu.memory_space<hbm>> -> memref<8x576xf32, #tpu.memory_space<hbm>>
      %dma_start3A_40 = arith.constant 0 : i32
      %dma_start3A_41 = tpu.memref_slice %arg4[%add3A_34, %dma_start3A_40] : memref<576x576xf32, #tpu.memory_space<hbm>> -> memref<8x576xf32, #tpu.memory_space<hbm>>
      %dma_start3A_42 = arith.constant 0 : i32
      %dma_start3A_43 = arith.constant 0 : i32
      %dma_start3A_44 = tpu.memref_slice %arg7[%dma_start3A_42, %dma_start3A_43] : memref<24x576xf32, #tpu.memory_space<vmem>> -> memref<8x576xf32, #tpu.memory_space<vmem>>
      tpu.enqueue_dma source(%dma_start3A_44 : memref<8x576xf32, #tpu.memory_space<vmem>>) target(%dma_start3A_41 : memref<8x576xf32, #tpu.memory_space<hbm>>) target_semaphore(%arg8 : memref<!tpu.dma_semaphore, #tpu.memory_space<semaphore_mem>>)
      %scan3A_45 = arith.constant 0 : i32
      %scan3A_46 = arith.constant 8 : i32
      %scan3A_47 = arith.constant 8 : i32
      %scan3A_48 = arith.addi %scan3A_46, %scan3A_47 : i32
      %scan3A_49 = arith.constant 1 : i32
      %scan3A_50 = scf.for %scan3A_113 = %scan3A_46 to %scan3A_48 step %scan3A_49 iter_args(%scan3A_114 = %scan3A_45) -> (i32)  : i32 {
        %broadcast_in_dim3A_115 = vector.broadcast %scan3A_113 : i32 to vector<16xi32>
        %get3A = arith.index_cast %scan3A_113 : i32 to index
        %get3A_116 = arith.constant 0 : index
        %get3A_117 = tpu.vector_load %arg6[%get3A, %get3A_116] {strides = array<i32>} : memref<24x256xi32, #tpu.memory_space<vmem>>, vector<16xi32>,
        %and3A = arith.constant 1023 : i32
        %and3A_118 = vector.broadcast %and3A : i32 to vector<16xi32>
        %and3A_119 = arith.andi %get3A_117, %and3A_118 : vector<16xi32>
        %shift_right_arithmetic3A = arith.constant 10 : i32
        %shift_right_arithmetic3A_120 = vector.broadcast %shift_right_arithmetic3A : i32 to vector<16xi32>
        %shift_right_arithmetic3A_121 = arith.shrsi %get3A_117, %shift_right_arithmetic3A_120 : vector<16xi32>
        %gather3A = tpu.vector_load_idx %arg5[%broadcast_in_dim3A_115, %shift_right_arithmetic3A_121] : memref<24x128xf32, #tpu.memory_space<vmem>>[vector<16xi32>, vector<16xi32>], vector<16xf32>,
        %get3A_122 = arith.index_cast %scan3A_113 : i32 to index
        %get3A_123 = arith.constant 16 : index
        %get3A_124 = tpu.vector_load %arg6[%get3A_122, %get3A_123] {strides = array<i32>} : memref<24x256xi32, #tpu.memory_space<vmem>>, vector<16xi32>,
        %and3A_125 = arith.constant 1023 : i32
        %and3A_126 = vector.broadcast %and3A_125 : i32 to vector<16xi32>
        %and3A_127 = arith.andi %get3A_124, %and3A_126 : vector<16xi32>
        %shift_right_arithmetic3A_128 = arith.constant 10 : i32
        %shift_right_arithmetic3A_129 = vector.broadcast %shift_right_arithmetic3A_128 : i32 to vector<16xi32>
        %shift_right_arithmetic3A_130 = arith.shrsi %get3A_124, %shift_right_arithmetic3A_129 : vector<16xi32>
        %gather3A_131 = tpu.vector_load_idx %arg5[%broadcast_in_dim3A_115, %shift_right_arithmetic3A_130] : memref<24x128xf32, #tpu.memory_space<vmem>>[vector<16xi32>, vector<16xi32>], vector<16xf32>,
        %get3A_132 = arith.index_cast %scan3A_113 : i32 to index
        %get3A_133 = arith.constant 32 : index
        %get3A_134 = tpu.vector_load %arg6[%get3A_132, %get3A_133] {strides = array<i32>} : memref<24x256xi32, #tpu.memory_space<vmem>>, vector<16xi32>,
        %and3A_135 = arith.constant 1023 : i32
        %and3A_136 = vector.broadcast %and3A_135 : i32 to vector<16xi32>
        %and3A_137 = arith.andi %get3A_134, %and3A_136 : vector<16xi32>
        %shift_right_arithmetic3A_138 = arith.constant 10 : i32
        %shift_right_arithmetic3A_139 = vector.broadcast %shift_right_arithmetic3A_138 : i32 to vector<16xi32>
        %shift_right_arithmetic3A_140 = arith.shrsi %get3A_134, %shift_right_arithmetic3A_139 : vector<16xi32>
        %gather3A_141 = tpu.vector_load_idx %arg5[%broadcast_in_dim3A_115, %shift_right_arithmetic3A_140] : memref<24x128xf32, #tpu.memory_space<vmem>>[vector<16xi32>, vector<16xi32>], vector<16xf32>,
        %get3A_142 = arith.index_cast %scan3A_113 : i32 to index
        %get3A_143 = arith.constant 48 : index
        %get3A_144 = tpu.vector_load %arg6[%get3A_142, %get3A_143] {strides = array<i32>} : memref<24x256xi32, #tpu.memory_space<vmem>>, vector<16xi32>,
        %and3A_145 = arith.constant 1023 : i32
        %and3A_146 = vector.broadcast %and3A_145 : i32 to vector<16xi32>
        %and3A_147 = arith.andi %get3A_144, %and3A_146 : vector<16xi32>
        %shift_right_arithmetic3A_148 = arith.constant 10 : i32
        %shift_right_arithmetic3A_149 = vector.broadcast %shift_right_arithmetic3A_148 : i32 to vector<16xi32>
        %shift_right_arithmetic3A_150 = arith.shrsi %get3A_144, %shift_right_arithmetic3A_149 : vector<16xi32>
        %gather3A_151 = tpu.vector_load_idx %arg5[%broadcast_in_dim3A_115, %shift_right_arithmetic3A_150] : memref<24x128xf32, #tpu.memory_space<vmem>>[vector<16xi32>, vector<16xi32>], vector<16xf32>,
        %get3A_152 = arith.index_cast %scan3A_113 : i32 to index
        %get3A_153 = arith.constant 64 : index
        %get3A_154 = tpu.vector_load %arg6[%get3A_152, %get3A_153] {strides = array<i32>} : memref<24x256xi32, #tpu.memory_space<vmem>>, vector<16xi32>,
        %and3A_155 = arith.constant 1023 : i32
        %and3A_156 = vector.broadcast %and3A_155 : i32 to vector<16xi32>
        %and3A_157 = arith.andi %get3A_154, %and3A_156 : vector<16xi32>
        %shift_right_arithmetic3A_158 = arith.constant 10 : i32
        %shift_right_arithmetic3A_159 = vector.broadcast %shift_right_arithmetic3A_158 : i32 to vector<16xi32>
        %shift_right_arithmetic3A_160 = arith.shrsi %get3A_154, %shift_right_arithmetic3A_159 : vector<16xi32>
        %gather3A_161 = tpu.vector_load_idx %arg5[%broadcast_in_dim3A_115, %shift_right_arithmetic3A_160] : memref<24x128xf32, #tpu.memory_space<vmem>>[vector<16xi32>, vector<16xi32>], vector<16xf32>,
        %get3A_162 = arith.index_cast %scan3A_113 : i32 to index
        %get3A_163 = arith.constant 80 : index
        %get3A_164 = tpu.vector_load %arg6[%get3A_162, %get3A_163] {strides = array<i32>} : memref<24x256xi32, #tpu.memory_space<vmem>>, vector<16xi32>,
        %and3A_165 = arith.constant 1023 : i32
        %and3A_166 = vector.broadcast %and3A_165 : i32 to vector<16xi32>
        %and3A_167 = arith.andi %get3A_164, %and3A_166 : vector<16xi32>
        %shift_right_arithmetic3A_168 = arith.constant 10 : i32
        %shift_right_arithmetic3A_169 = vector.broadcast %shift_right_arithmetic3A_168 : i32 to vector<16xi32>
        %shift_right_arithmetic3A_170 = arith.shrsi %get3A_164, %shift_right_arithmetic3A_169 : vector<16xi32>
        %gather3A_171 = tpu.vector_load_idx %arg5[%broadcast_in_dim3A_115, %shift_right_arithmetic3A_170] : memref<24x128xf32, #tpu.memory_space<vmem>>[vector<16xi32>, vector<16xi32>], vector<16xf32>,
        %get3A_172 = arith.index_cast %scan3A_113 : i32 to index
        %get3A_173 = arith.constant 96 : index
        %get3A_174 = tpu.vector_load %arg6[%get3A_172, %get3A_173] {strides = array<i32>} : memref<24x256xi32, #tpu.memory_space<vmem>>, vector<16xi32>,
        %and3A_175 = arith.constant 1023 : i32
        %and3A_176 = vector.broadcast %and3A_175 : i32 to vector<16xi32>
        %and3A_177 = arith.andi %get3A_174, %and3A_176 : vector<16xi32>
        %shift_right_arithmetic3A_178 = arith.constant 10 : i32
        %shift_right_arithmetic3A_179 = vector.broadcast %shift_right_arithmetic3A_178 : i32 to vector<16xi32>
        %shift_right_arithmetic3A_180 = arith.shrsi %get3A_174, %shift_right_arithmetic3A_179 : vector<16xi32>
        %gather3A_181 = tpu.vector_load_idx %arg5[%broadcast_in_dim3A_115, %shift_right_arithmetic3A_180] : memref<24x128xf32, #tpu.memory_space<vmem>>[vector<16xi32>, vector<16xi32>], vector<16xf32>,
        %get3A_182 = arith.index_cast %scan3A_113 : i32 to index
        %get3A_183 = arith.constant 112 : index
        %get3A_184 = tpu.vector_load %arg6[%get3A_182, %get3A_183] {strides = array<i32>} : memref<24x256xi32, #tpu.memory_space<vmem>>, vector<16xi32>,
        %and3A_185 = arith.constant 1023 : i32
        %and3A_186 = vector.broadcast %and3A_185 : i32 to vector<16xi32>
        %and3A_187 = arith.andi %get3A_184, %and3A_186 : vector<16xi32>
        %shift_right_arithmetic3A_188 = arith.constant 10 : i32
        %shift_right_arithmetic3A_189 = vector.broadcast %shift_right_arithmetic3A_188 : i32 to vector<16xi32>
        %shift_right_arithmetic3A_190 = arith.shrsi %get3A_184, %shift_right_arithmetic3A_189 : vector<16xi32>
        %gather3A_191 = tpu.vector_load_idx %arg5[%broadcast_in_dim3A_115, %shift_right_arithmetic3A_190] : memref<24x128xf32, #tpu.memory_space<vmem>>[vector<16xi32>, vector<16xi32>], vector<16xf32>,
        %get3A_192 = arith.index_cast %scan3A_113 : i32 to index
        %get3A_193 = arith.constant 128 : index
        %get3A_194 = tpu.vector_load %arg6[%get3A_192, %get3A_193] {strides = array<i32>} : memref<24x256xi32, #tpu.memory_space<vmem>>, vector<16xi32>,
        %and3A_195 = arith.constant 1023 : i32
        %and3A_196 = vector.broadcast %and3A_195 : i32 to vector<16xi32>
        %and3A_197 = arith.andi %get3A_194, %and3A_196 : vector<16xi32>
        %shift_right_arithmetic3A_198 = arith.constant 10 : i32
        %shift_right_arithmetic3A_199 = vector.broadcast %shift_right_arithmetic3A_198 : i32 to vector<16xi32>
        %shift_right_arithmetic3A_200 = arith.shrsi %get3A_194, %shift_right_arithmetic3A_199 : vector<16xi32>
        %gather3A_201 = tpu.vector_load_idx %arg5[%broadcast_in_dim3A_115, %shift_right_arithmetic3A_200] : memref<24x128xf32, #tpu.memory_space<vmem>>[vector<16xi32>, vector<16xi32>], vector<16xf32>,
        %get3A_202 = arith.index_cast %scan3A_113 : i32 to index
        %get3A_203 = arith.constant 144 : index
        %get3A_204 = tpu.vector_load %arg6[%get3A_202, %get3A_203] {strides = array<i32>} : memref<24x256xi32, #tpu.memory_space<vmem>>, vector<16xi32>,
        %and3A_205 = arith.constant 1023 : i32
        %and3A_206 = vector.broadcast %and3A_205 : i32 to vector<16xi32>
        %and3A_207 = arith.andi %get3A_204, %and3A_206 : vector<16xi32>
        %shift_right_arithmetic3A_208 = arith.constant 10 : i32
        %shift_right_arithmetic3A_209 = vector.broadcast %shift_right_arithmetic3A_208 : i32 to vector<16xi32>
        %shift_right_arithmetic3A_210 = arith.shrsi %get3A_204, %shift_right_arithmetic3A_209 : vector<16xi32>
        %gather3A_211 = tpu.vector_load_idx %arg5[%broadcast_in_dim3A_115, %shift_right_arithmetic3A_210] : memref<24x128xf32, #tpu.memory_space<vmem>>[vector<16xi32>, vector<16xi32>], vector<16xf32>,
        %get3A_212 = arith.index_cast %scan3A_113 : i32 to index
        %get3A_213 = arith.constant 160 : index
        %get3A_214 = tpu.vector_load %arg6[%get3A_212, %get3A_213] {strides = array<i32>} : memref<24x256xi32, #tpu.memory_space<vmem>>, vector<16xi32>,
        %and3A_215 = arith.constant 1023 : i32
        %and3A_216 = vector.broadcast %and3A_215 : i32 to vector<16xi32>
        %and3A_217 = arith.andi %get3A_214, %and3A_216 : vector<16xi32>
        %shift_right_arithmetic3A_218 = arith.constant 10 : i32
        %shift_right_arithmetic3A_219 = vector.broadcast %shift_right_arithmetic3A_218 : i32 to vector<16xi32>
        %shift_right_arithmetic3A_220 = arith.shrsi %get3A_214, %shift_right_arithmetic3A_219 : vector<16xi32>
        %gather3A_221 = tpu.vector_load_idx %arg5[%broadcast_in_dim3A_115, %shift_right_arithmetic3A_220] : memref<24x128xf32, #tpu.memory_space<vmem>>[vector<16xi32>, vector<16xi32>], vector<16xf32>,
        %get3A_222 = arith.index_cast %scan3A_113 : i32 to index
        %get3A_223 = arith.constant 176 : index
        %get3A_224 = tpu.vector_load %arg6[%get3A_222, %get3A_223] {strides = array<i32>} : memref<24x256xi32, #tpu.memory_space<vmem>>, vector<16xi32>,
        %and3A_225 = arith.constant 1023 : i32
        %and3A_226 = vector.broadcast %and3A_225 : i32 to vector<16xi32>
        %and3A_227 = arith.andi %get3A_224, %and3A_226 : vector<16xi32>
        %shift_right_arithmetic3A_228 = arith.constant 10 : i32
        %shift_right_arithmetic3A_229 = vector.broadcast %shift_right_arithmetic3A_228 : i32 to vector<16xi32>
        %shift_right_arithmetic3A_230 = arith.shrsi %get3A_224, %shift_right_arithmetic3A_229 : vector<16xi32>
        %gather3A_231 = tpu.vector_load_idx %arg5[%broadcast_in_dim3A_115, %shift_right_arithmetic3A_230] : memref<24x128xf32, #tpu.memory_space<vmem>>[vector<16xi32>, vector<16xi32>], vector<16xf32>,
        %get3A_232 = arith.index_cast %scan3A_113 : i32 to index
        %get3A_233 = arith.constant 192 : index
        %get3A_234 = tpu.vector_load %arg6[%get3A_232, %get3A_233] {strides = array<i32>} : memref<24x256xi32, #tpu.memory_space<vmem>>, vector<16xi32>,
        %and3A_235 = arith.constant 1023 : i32
        %and3A_236 = vector.broadcast %and3A_235 : i32 to vector<16xi32>
        %and3A_237 = arith.andi %get3A_234, %and3A_236 : vector<16xi32>
        %shift_right_arithmetic3A_238 = arith.constant 10 : i32
        %shift_right_arithmetic3A_239 = vector.broadcast %shift_right_arithmetic3A_238 : i32 to vector<16xi32>
        %shift_right_arithmetic3A_240 = arith.shrsi %get3A_234, %shift_right_arithmetic3A_239 : vector<16xi32>
        %gather3A_241 = tpu.vector_load_idx %arg5[%broadcast_in_dim3A_115, %shift_right_arithmetic3A_240] : memref<24x128xf32, #tpu.memory_space<vmem>>[vector<16xi32>, vector<16xi32>], vector<16xf32>,
        %get3A_242 = arith.index_cast %scan3A_113 : i32 to index
        %get3A_243 = arith.constant 208 : index
        %get3A_244 = tpu.vector_load %arg6[%get3A_242, %get3A_243] {strides = array<i32>} : memref<24x256xi32, #tpu.memory_space<vmem>>, vector<16xi32>,
        %and3A_245 = arith.constant 1023 : i32
        %and3A_246 = vector.broadcast %and3A_245 : i32 to vector<16xi32>
        %and3A_247 = arith.andi %get3A_244, %and3A_246 : vector<16xi32>
        %shift_right_arithmetic3A_248 = arith.constant 10 : i32
        %shift_right_arithmetic3A_249 = vector.broadcast %shift_right_arithmetic3A_248 : i32 to vector<16xi32>
        %shift_right_arithmetic3A_250 = arith.shrsi %get3A_244, %shift_right_arithmetic3A_249 : vector<16xi32>
        %gather3A_251 = tpu.vector_load_idx %arg5[%broadcast_in_dim3A_115, %shift_right_arithmetic3A_250] : memref<24x128xf32, #tpu.memory_space<vmem>>[vector<16xi32>, vector<16xi32>], vector<16xf32>,
        %get3A_252 = arith.index_cast %scan3A_113 : i32 to index
        %get3A_253 = arith.constant 224 : index
        %get3A_254 = tpu.vector_load %arg6[%get3A_252, %get3A_253] {strides = array<i32>} : memref<24x256xi32, #tpu.memory_space<vmem>>, vector<16xi32>,
        %and3A_255 = arith.constant 1023 : i32
        %and3A_256 = vector.broadcast %and3A_255 : i32 to vector<16xi32>
        %and3A_257 = arith.andi %get3A_254, %and3A_256 : vector<16xi32>
        %shift_right_arithmetic3A_258 = arith.constant 10 : i32
        %shift_right_arithmetic3A_259 = vector.broadcast %shift_right_arithmetic3A_258 : i32 to vector<16xi32>
        %shift_right_arithmetic3A_260 = arith.shrsi %get3A_254, %shift_right_arithmetic3A_259 : vector<16xi32>
        %gather3A_261 = tpu.vector_load_idx %arg5[%broadcast_in_dim3A_115, %shift_right_arithmetic3A_260] : memref<24x128xf32, #tpu.memory_space<vmem>>[vector<16xi32>, vector<16xi32>], vector<16xf32>,
        %get3A_262 = arith.index_cast %scan3A_113 : i32 to index
        %get3A_263 = arith.constant 240 : index
        %get3A_264 = tpu.vector_load %arg6[%get3A_262, %get3A_263] {strides = array<i32>} : memref<24x256xi32, #tpu.memory_space<vmem>>, vector<16xi32>,
        %and3A_265 = arith.constant 1023 : i32
        %and3A_266 = vector.broadcast %and3A_265 : i32 to vector<16xi32>
        %and3A_267 = arith.andi %get3A_264, %and3A_266 : vector<16xi32>
        %shift_right_arithmetic3A_268 = arith.constant 10 : i32
        %shift_right_arithmetic3A_269 = vector.broadcast %shift_right_arithmetic3A_268 : i32 to vector<16xi32>
        %shift_right_arithmetic3A_270 = arith.shrsi %get3A_264, %shift_right_arithmetic3A_269 : vector<16xi32>
        %gather3A_271 = tpu.vector_load_idx %arg5[%broadcast_in_dim3A_115, %shift_right_arithmetic3A_270] : memref<24x128xf32, #tpu.memory_space<vmem>>[vector<16xi32>, vector<16xi32>], vector<16xf32>,
        tpu.vector_store_idx %arg7[%broadcast_in_dim3A_115, %and3A_119], %gather3A {add = true} : memref<24x576xf32, #tpu.memory_space<vmem>>[vector<16xi32>, vector<16xi32>], vector<16xf32>,
        tpu.vector_store_idx %arg7[%broadcast_in_dim3A_115, %and3A_127], %gather3A_131 {add = true} : memref<24x576xf32, #tpu.memory_space<vmem>>[vector<16xi32>, vector<16xi32>], vector<16xf32>,
        tpu.vector_store_idx %arg7[%broadcast_in_dim3A_115, %and3A_137], %gather3A_141 {add = true} : memref<24x576xf32, #tpu.memory_space<vmem>>[vector<16xi32>, vector<16xi32>], vector<16xf32>,
        tpu.vector_store_idx %arg7[%broadcast_in_dim3A_115, %and3A_147], %gather3A_151 {add = true} : memref<24x576xf32, #tpu.memory_space<vmem>>[vector<16xi32>, vector<16xi32>], vector<16xf32>,
        tpu.vector_store_idx %arg7[%broadcast_in_dim3A_115, %and3A_157], %gather3A_161 {add = true} : memref<24x576xf32, #tpu.memory_space<vmem>>[vector<16xi32>, vector<16xi32>], vector<16xf32>,
        tpu.vector_store_idx %arg7[%broadcast_in_dim3A_115, %and3A_167], %gather3A_171 {add = true} : memref<24x576xf32, #tpu.memory_space<vmem>>[vector<16xi32>, vector<16xi32>], vector<16xf32>,
        tpu.vector_store_idx %arg7[%broadcast_in_dim3A_115, %and3A_177], %gather3A_181 {add = true} : memref<24x576xf32, #tpu.memory_space<vmem>>[vector<16xi32>, vector<16xi32>], vector<16xf32>,
        tpu.vector_store_idx %arg7[%broadcast_in_dim3A_115, %and3A_187], %gather3A_191 {add = true} : memref<24x576xf32, #tpu.memory_space<vmem>>[vector<16xi32>, vector<16xi32>], vector<16xf32>,
        tpu.vector_store_idx %arg7[%broadcast_in_dim3A_115, %and3A_197], %gather3A_201 {add = true} : memref<24x576xf32, #tpu.memory_space<vmem>>[vector<16xi32>, vector<16xi32>], vector<16xf32>,
        tpu.vector_store_idx %arg7[%broadcast_in_dim3A_115, %and3A_207], %gather3A_211 {add = true} : memref<24x576xf32, #tpu.memory_space<vmem>>[vector<16xi32>, vector<16xi32>], vector<16xf32>,
        tpu.vector_store_idx %arg7[%broadcast_in_dim3A_115, %and3A_217], %gather3A_221 {add = true} : memref<24x576xf32, #tpu.memory_space<vmem>>[vector<16xi32>, vector<16xi32>], vector<16xf32>,
        tpu.vector_store_idx %arg7[%broadcast_in_dim3A_115, %and3A_227], %gather3A_231 {add = true} : memref<24x576xf32, #tpu.memory_space<vmem>>[vector<16xi32>, vector<16xi32>], vector<16xf32>,
        tpu.vector_store_idx %arg7[%broadcast_in_dim3A_115, %and3A_237], %gather3A_241 {add = true} : memref<24x576xf32, #tpu.memory_space<vmem>>[vector<16xi32>, vector<16xi32>], vector<16xf32>,
        tpu.vector_store_idx %arg7[%broadcast_in_dim3A_115, %and3A_247], %gather3A_251 {add = true} : memref<24x576xf32, #tpu.memory_space<vmem>>[vector<16xi32>, vector<16xi32>], vector<16xf32>,
        tpu.vector_store_idx %arg7[%broadcast_in_dim3A_115, %and3A_257], %gather3A_261 {add = true} : memref<24x576xf32, #tpu.memory_space<vmem>>[vector<16xi32>, vector<16xi32>], vector<16xf32>,
        tpu.vector_store_idx %arg7[%broadcast_in_dim3A_115, %and3A_267], %gather3A_271 {add = true} : memref<24x576xf32, #tpu.memory_space<vmem>>[vector<16xi32>, vector<16xi32>], vector<16xf32>,
        %scan3A_272 = arith.constant 0 : i32
        scf.yield %scan3A_272 : i32
      }
      %scan3A_51 = arith.constant 8 : i32
      %add3A_52 = arith.constant 8 : i32
      %add3A_53 = arith.addi %mul3A_2, %add3A_52 : i32
      %dma_start3A_54 = arith.constant 8 : i32
      %dma_start3A_55 = arith.constant 0 : i32
      %dma_start3A_56 = tpu.memref_slice %arg7[%dma_start3A_54, %dma_start3A_55] : memref<24x576xf32, #tpu.memory_space<vmem>> -> memref<8x576xf32, #tpu.memory_space<vmem>>
      %dma_start3A_57 = arith.constant 0 : i32
      %dma_start3A_58 = tpu.memref_slice %arg4[%add3A_53, %dma_start3A_57] : memref<576x576xf32, #tpu.memory_space<hbm>> -> memref<8x576xf32, #tpu.memory_space<hbm>>
      %dma_start3A_59 = arith.constant 0 : i32
      %dma_start3A_60 = tpu.memref_slice %arg4[%add3A_53, %dma_start3A_59] : memref<576x576xf32, #tpu.memory_space<hbm>> -> memref<8x576xf32, #tpu.memory_space<hbm>>
      %dma_start3A_61 = arith.constant 8 : i32
      %dma_start3A_62 = arith.constant 0 : i32
      %dma_start3A_63 = tpu.memref_slice %arg7[%dma_start3A_61, %dma_start3A_62] : memref<24x576xf32, #tpu.memory_space<vmem>> -> memref<8x576xf32, #tpu.memory_space<vmem>>
      tpu.enqueue_dma source(%dma_start3A_63 : memref<8x576xf32, #tpu.memory_space<vmem>>) target(%dma_start3A_60 : memref<8x576xf32, #tpu.memory_space<hbm>>) target_semaphore(%arg8 : memref<!tpu.dma_semaphore, #tpu.memory_space<semaphore_mem>>)
      %scan3A_64 = arith.constant 0 : i32
      %scan3A_65 = arith.constant 16 : i32
      %scan3A_66 = arith.constant 8 : i32
      %scan3A_67 = arith.addi %scan3A_65, %scan3A_66 : i32
      %scan3A_68 = arith.constant 1 : i32
      %scan3A_69 = scf.for %scan3A_113 = %scan3A_65 to %scan3A_67 step %scan3A_68 iter_args(%scan3A_114 = %scan3A_64) -> (i32)  : i32 {
        %broadcast_in_dim3A_115 = vector.broadcast %scan3A_113 : i32 to vector<16xi32>
        %get3A = arith.index_cast %scan3A_113 : i32 to index
        %get3A_116 = arith.constant 0 : index
        %get3A_117 = tpu.vector_load %arg6[%get3A, %get3A_116] {strides = array<i32>} : memref<24x256xi32, #tpu.memory_space<vmem>>, vector<16xi32>,
        %and3A = arith.constant 1023 : i32
        %and3A_118 = vector.broadcast %and3A : i32 to vector<16xi32>
        %and3A_119 = arith.andi %get3A_117, %and3A_118 : vector<16xi32>
        %shift_right_arithmetic3A = arith.constant 10 : i32
        %shift_right_arithmetic3A_120 = vector.broadcast %shift_right_arithmetic3A : i32 to vector<16xi32>
        %shift_right_arithmetic3A_121 = arith.shrsi %get3A_117, %shift_right_arithmetic3A_120 : vector<16xi32>
        %gather3A = tpu.vector_load_idx %arg5[%broadcast_in_dim3A_115, %shift_right_arithmetic3A_121] : memref<24x128xf32, #tpu.memory_space<vmem>>[vector<16xi32>, vector<16xi32>], vector<16xf32>,
        %get3A_122 = arith.index_cast %scan3A_113 : i32 to index
        %get3A_123 = arith.constant 16 : index
        %get3A_124 = tpu.vector_load %arg6[%get3A_122, %get3A_123] {strides = array<i32>} : memref<24x256xi32, #tpu.memory_space<vmem>>, vector<16xi32>,
        %and3A_125 = arith.constant 1023 : i32
        %and3A_126 = vector.broadcast %and3A_125 : i32 to vector<16xi32>
        %and3A_127 = arith.andi %get3A_124, %and3A_126 : vector<16xi32>
        %shift_right_arithmetic3A_128 = arith.constant 10 : i32
        %shift_right_arithmetic3A_129 = vector.broadcast %shift_right_arithmetic3A_128 : i32 to vector<16xi32>
        %shift_right_arithmetic3A_130 = arith.shrsi %get3A_124, %shift_right_arithmetic3A_129 : vector<16xi32>
        %gather3A_131 = tpu.vector_load_idx %arg5[%broadcast_in_dim3A_115, %shift_right_arithmetic3A_130] : memref<24x128xf32, #tpu.memory_space<vmem>>[vector<16xi32>, vector<16xi32>], vector<16xf32>,
        %get3A_132 = arith.index_cast %scan3A_113 : i32 to index
        %get3A_133 = arith.constant 32 : index
        %get3A_134 = tpu.vector_load %arg6[%get3A_132, %get3A_133] {strides = array<i32>} : memref<24x256xi32, #tpu.memory_space<vmem>>, vector<16xi32>,
        %and3A_135 = arith.constant 1023 : i32
        %and3A_136 = vector.broadcast %and3A_135 : i32 to vector<16xi32>
        %and3A_137 = arith.andi %get3A_134, %and3A_136 : vector<16xi32>
        %shift_right_arithmetic3A_138 = arith.constant 10 : i32
        %shift_right_arithmetic3A_139 = vector.broadcast %shift_right_arithmetic3A_138 : i32 to vector<16xi32>
        %shift_right_arithmetic3A_140 = arith.shrsi %get3A_134, %shift_right_arithmetic3A_139 : vector<16xi32>
        %gather3A_141 = tpu.vector_load_idx %arg5[%broadcast_in_dim3A_115, %shift_right_arithmetic3A_140] : memref<24x128xf32, #tpu.memory_space<vmem>>[vector<16xi32>, vector<16xi32>], vector<16xf32>,
        %get3A_142 = arith.index_cast %scan3A_113 : i32 to index
        %get3A_143 = arith.constant 48 : index
        %get3A_144 = tpu.vector_load %arg6[%get3A_142, %get3A_143] {strides = array<i32>} : memref<24x256xi32, #tpu.memory_space<vmem>>, vector<16xi32>,
        %and3A_145 = arith.constant 1023 : i32
        %and3A_146 = vector.broadcast %and3A_145 : i32 to vector<16xi32>
        %and3A_147 = arith.andi %get3A_144, %and3A_146 : vector<16xi32>
        %shift_right_arithmetic3A_148 = arith.constant 10 : i32
        %shift_right_arithmetic3A_149 = vector.broadcast %shift_right_arithmetic3A_148 : i32 to vector<16xi32>
        %shift_right_arithmetic3A_150 = arith.shrsi %get3A_144, %shift_right_arithmetic3A_149 : vector<16xi32>
        %gather3A_151 = tpu.vector_load_idx %arg5[%broadcast_in_dim3A_115, %shift_right_arithmetic3A_150] : memref<24x128xf32, #tpu.memory_space<vmem>>[vector<16xi32>, vector<16xi32>], vector<16xf32>,
        %get3A_152 = arith.index_cast %scan3A_113 : i32 to index
        %get3A_153 = arith.constant 64 : index
        %get3A_154 = tpu.vector_load %arg6[%get3A_152, %get3A_153] {strides = array<i32>} : memref<24x256xi32, #tpu.memory_space<vmem>>, vector<16xi32>,
        %and3A_155 = arith.constant 1023 : i32
        %and3A_156 = vector.broadcast %and3A_155 : i32 to vector<16xi32>
        %and3A_157 = arith.andi %get3A_154, %and3A_156 : vector<16xi32>
        %shift_right_arithmetic3A_158 = arith.constant 10 : i32
        %shift_right_arithmetic3A_159 = vector.broadcast %shift_right_arithmetic3A_158 : i32 to vector<16xi32>
        %shift_right_arithmetic3A_160 = arith.shrsi %get3A_154, %shift_right_arithmetic3A_159 : vector<16xi32>
        %gather3A_161 = tpu.vector_load_idx %arg5[%broadcast_in_dim3A_115, %shift_right_arithmetic3A_160] : memref<24x128xf32, #tpu.memory_space<vmem>>[vector<16xi32>, vector<16xi32>], vector<16xf32>,
        %get3A_162 = arith.index_cast %scan3A_113 : i32 to index
        %get3A_163 = arith.constant 80 : index
        %get3A_164 = tpu.vector_load %arg6[%get3A_162, %get3A_163] {strides = array<i32>} : memref<24x256xi32, #tpu.memory_space<vmem>>, vector<16xi32>,
        %and3A_165 = arith.constant 1023 : i32
        %and3A_166 = vector.broadcast %and3A_165 : i32 to vector<16xi32>
        %and3A_167 = arith.andi %get3A_164, %and3A_166 : vector<16xi32>
        %shift_right_arithmetic3A_168 = arith.constant 10 : i32
        %shift_right_arithmetic3A_169 = vector.broadcast %shift_right_arithmetic3A_168 : i32 to vector<16xi32>
        %shift_right_arithmetic3A_170 = arith.shrsi %get3A_164, %shift_right_arithmetic3A_169 : vector<16xi32>
        %gather3A_171 = tpu.vector_load_idx %arg5[%broadcast_in_dim3A_115, %shift_right_arithmetic3A_170] : memref<24x128xf32, #tpu.memory_space<vmem>>[vector<16xi32>, vector<16xi32>], vector<16xf32>,
        %get3A_172 = arith.index_cast %scan3A_113 : i32 to index
        %get3A_173 = arith.constant 96 : index
        %get3A_174 = tpu.vector_load %arg6[%get3A_172, %get3A_173] {strides = array<i32>} : memref<24x256xi32, #tpu.memory_space<vmem>>, vector<16xi32>,
        %and3A_175 = arith.constant 1023 : i32
        %and3A_176 = vector.broadcast %and3A_175 : i32 to vector<16xi32>
        %and3A_177 = arith.andi %get3A_174, %and3A_176 : vector<16xi32>
        %shift_right_arithmetic3A_178 = arith.constant 10 : i32
        %shift_right_arithmetic3A_179 = vector.broadcast %shift_right_arithmetic3A_178 : i32 to vector<16xi32>
        %shift_right_arithmetic3A_180 = arith.shrsi %get3A_174, %shift_right_arithmetic3A_179 : vector<16xi32>
        %gather3A_181 = tpu.vector_load_idx %arg5[%broadcast_in_dim3A_115, %shift_right_arithmetic3A_180] : memref<24x128xf32, #tpu.memory_space<vmem>>[vector<16xi32>, vector<16xi32>], vector<16xf32>,
        %get3A_182 = arith.index_cast %scan3A_113 : i32 to index
        %get3A_183 = arith.constant 112 : index
        %get3A_184 = tpu.vector_load %arg6[%get3A_182, %get3A_183] {strides = array<i32>} : memref<24x256xi32, #tpu.memory_space<vmem>>, vector<16xi32>,
        %and3A_185 = arith.constant 1023 : i32
        %and3A_186 = vector.broadcast %and3A_185 : i32 to vector<16xi32>
        %and3A_187 = arith.andi %get3A_184, %and3A_186 : vector<16xi32>
        %shift_right_arithmetic3A_188 = arith.constant 10 : i32
        %shift_right_arithmetic3A_189 = vector.broadcast %shift_right_arithmetic3A_188 : i32 to vector<16xi32>
        %shift_right_arithmetic3A_190 = arith.shrsi %get3A_184, %shift_right_arithmetic3A_189 : vector<16xi32>
        %gather3A_191 = tpu.vector_load_idx %arg5[%broadcast_in_dim3A_115, %shift_right_arithmetic3A_190] : memref<24x128xf32, #tpu.memory_space<vmem>>[vector<16xi32>, vector<16xi32>], vector<16xf32>,
        %get3A_192 = arith.index_cast %scan3A_113 : i32 to index
        %get3A_193 = arith.constant 128 : index
        %get3A_194 = tpu.vector_load %arg6[%get3A_192, %get3A_193] {strides = array<i32>} : memref<24x256xi32, #tpu.memory_space<vmem>>, vector<16xi32>,
        %and3A_195 = arith.constant 1023 : i32
        %and3A_196 = vector.broadcast %and3A_195 : i32 to vector<16xi32>
        %and3A_197 = arith.andi %get3A_194, %and3A_196 : vector<16xi32>
        %shift_right_arithmetic3A_198 = arith.constant 10 : i32
        %shift_right_arithmetic3A_199 = vector.broadcast %shift_right_arithmetic3A_198 : i32 to vector<16xi32>
        %shift_right_arithmetic3A_200 = arith.shrsi %get3A_194, %shift_right_arithmetic3A_199 : vector<16xi32>
        %gather3A_201 = tpu.vector_load_idx %arg5[%broadcast_in_dim3A_115, %shift_right_arithmetic3A_200] : memref<24x128xf32, #tpu.memory_space<vmem>>[vector<16xi32>, vector<16xi32>], vector<16xf32>,
        %get3A_202 = arith.index_cast %scan3A_113 : i32 to index
        %get3A_203 = arith.constant 144 : index
        %get3A_204 = tpu.vector_load %arg6[%get3A_202, %get3A_203] {strides = array<i32>} : memref<24x256xi32, #tpu.memory_space<vmem>>, vector<16xi32>,
        %and3A_205 = arith.constant 1023 : i32
        %and3A_206 = vector.broadcast %and3A_205 : i32 to vector<16xi32>
        %and3A_207 = arith.andi %get3A_204, %and3A_206 : vector<16xi32>
        %shift_right_arithmetic3A_208 = arith.constant 10 : i32
        %shift_right_arithmetic3A_209 = vector.broadcast %shift_right_arithmetic3A_208 : i32 to vector<16xi32>
        %shift_right_arithmetic3A_210 = arith.shrsi %get3A_204, %shift_right_arithmetic3A_209 : vector<16xi32>
        %gather3A_211 = tpu.vector_load_idx %arg5[%broadcast_in_dim3A_115, %shift_right_arithmetic3A_210] : memref<24x128xf32, #tpu.memory_space<vmem>>[vector<16xi32>, vector<16xi32>], vector<16xf32>,
        %get3A_212 = arith.index_cast %scan3A_113 : i32 to index
        %get3A_213 = arith.constant 160 : index
        %get3A_214 = tpu.vector_load %arg6[%get3A_212, %get3A_213] {strides = array<i32>} : memref<24x256xi32, #tpu.memory_space<vmem>>, vector<16xi32>,
        %and3A_215 = arith.constant 1023 : i32
        %and3A_216 = vector.broadcast %and3A_215 : i32 to vector<16xi32>
        %and3A_217 = arith.andi %get3A_214, %and3A_216 : vector<16xi32>
        %shift_right_arithmetic3A_218 = arith.constant 10 : i32
        %shift_right_arithmetic3A_219 = vector.broadcast %shift_right_arithmetic3A_218 : i32 to vector<16xi32>
        %shift_right_arithmetic3A_220 = arith.shrsi %get3A_214, %shift_right_arithmetic3A_219 : vector<16xi32>
        %gather3A_221 = tpu.vector_load_idx %arg5[%broadcast_in_dim3A_115, %shift_right_arithmetic3A_220] : memref<24x128xf32, #tpu.memory_space<vmem>>[vector<16xi32>, vector<16xi32>], vector<16xf32>,
        %get3A_222 = arith.index_cast %scan3A_113 : i32 to index
        %get3A_223 = arith.constant 176 : index
        %get3A_224 = tpu.vector_load %arg6[%get3A_222, %get3A_223] {strides = array<i32>} : memref<24x256xi32, #tpu.memory_space<vmem>>, vector<16xi32>,
        %and3A_225 = arith.constant 1023 : i32
        %and3A_226 = vector.broadcast %and3A_225 : i32 to vector<16xi32>
        %and3A_227 = arith.andi %get3A_224, %and3A_226 : vector<16xi32>
        %shift_right_arithmetic3A_228 = arith.constant 10 : i32
        %shift_right_arithmetic3A_229 = vector.broadcast %shift_right_arithmetic3A_228 : i32 to vector<16xi32>
        %shift_right_arithmetic3A_230 = arith.shrsi %get3A_224, %shift_right_arithmetic3A_229 : vector<16xi32>
        %gather3A_231 = tpu.vector_load_idx %arg5[%broadcast_in_dim3A_115, %shift_right_arithmetic3A_230] : memref<24x128xf32, #tpu.memory_space<vmem>>[vector<16xi32>, vector<16xi32>], vector<16xf32>,
        %get3A_232 = arith.index_cast %scan3A_113 : i32 to index
        %get3A_233 = arith.constant 192 : index
        %get3A_234 = tpu.vector_load %arg6[%get3A_232, %get3A_233] {strides = array<i32>} : memref<24x256xi32, #tpu.memory_space<vmem>>, vector<16xi32>,
        %and3A_235 = arith.constant 1023 : i32
        %and3A_236 = vector.broadcast %and3A_235 : i32 to vector<16xi32>
        %and3A_237 = arith.andi %get3A_234, %and3A_236 : vector<16xi32>
        %shift_right_arithmetic3A_238 = arith.constant 10 : i32
        %shift_right_arithmetic3A_239 = vector.broadcast %shift_right_arithmetic3A_238 : i32 to vector<16xi32>
        %shift_right_arithmetic3A_240 = arith.shrsi %get3A_234, %shift_right_arithmetic3A_239 : vector<16xi32>
        %gather3A_241 = tpu.vector_load_idx %arg5[%broadcast_in_dim3A_115, %shift_right_arithmetic3A_240] : memref<24x128xf32, #tpu.memory_space<vmem>>[vector<16xi32>, vector<16xi32>], vector<16xf32>,
        %get3A_242 = arith.index_cast %scan3A_113 : i32 to index
        %get3A_243 = arith.constant 208 : index
        %get3A_244 = tpu.vector_load %arg6[%get3A_242, %get3A_243] {strides = array<i32>} : memref<24x256xi32, #tpu.memory_space<vmem>>, vector<16xi32>,
        %and3A_245 = arith.constant 1023 : i32
        %and3A_246 = vector.broadcast %and3A_245 : i32 to vector<16xi32>
        %and3A_247 = arith.andi %get3A_244, %and3A_246 : vector<16xi32>
        %shift_right_arithmetic3A_248 = arith.constant 10 : i32
        %shift_right_arithmetic3A_249 = vector.broadcast %shift_right_arithmetic3A_248 : i32 to vector<16xi32>
        %shift_right_arithmetic3A_250 = arith.shrsi %get3A_244, %shift_right_arithmetic3A_249 : vector<16xi32>
        %gather3A_251 = tpu.vector_load_idx %arg5[%broadcast_in_dim3A_115, %shift_right_arithmetic3A_250] : memref<24x128xf32, #tpu.memory_space<vmem>>[vector<16xi32>, vector<16xi32>], vector<16xf32>,
        %get3A_252 = arith.index_cast %scan3A_113 : i32 to index
        %get3A_253 = arith.constant 224 : index
        %get3A_254 = tpu.vector_load %arg6[%get3A_252, %get3A_253] {strides = array<i32>} : memref<24x256xi32, #tpu.memory_space<vmem>>, vector<16xi32>,
        %and3A_255 = arith.constant 1023 : i32
        %and3A_256 = vector.broadcast %and3A_255 : i32 to vector<16xi32>
        %and3A_257 = arith.andi %get3A_254, %and3A_256 : vector<16xi32>
        %shift_right_arithmetic3A_258 = arith.constant 10 : i32
        %shift_right_arithmetic3A_259 = vector.broadcast %shift_right_arithmetic3A_258 : i32 to vector<16xi32>
        %shift_right_arithmetic3A_260 = arith.shrsi %get3A_254, %shift_right_arithmetic3A_259 : vector<16xi32>
        %gather3A_261 = tpu.vector_load_idx %arg5[%broadcast_in_dim3A_115, %shift_right_arithmetic3A_260] : memref<24x128xf32, #tpu.memory_space<vmem>>[vector<16xi32>, vector<16xi32>], vector<16xf32>,
        %get3A_262 = arith.index_cast %scan3A_113 : i32 to index
        %get3A_263 = arith.constant 240 : index
        %get3A_264 = tpu.vector_load %arg6[%get3A_262, %get3A_263] {strides = array<i32>} : memref<24x256xi32, #tpu.memory_space<vmem>>, vector<16xi32>,
        %and3A_265 = arith.constant 1023 : i32
        %and3A_266 = vector.broadcast %and3A_265 : i32 to vector<16xi32>
        %and3A_267 = arith.andi %get3A_264, %and3A_266 : vector<16xi32>
        %shift_right_arithmetic3A_268 = arith.constant 10 : i32
        %shift_right_arithmetic3A_269 = vector.broadcast %shift_right_arithmetic3A_268 : i32 to vector<16xi32>
        %shift_right_arithmetic3A_270 = arith.shrsi %get3A_264, %shift_right_arithmetic3A_269 : vector<16xi32>
        %gather3A_271 = tpu.vector_load_idx %arg5[%broadcast_in_dim3A_115, %shift_right_arithmetic3A_270] : memref<24x128xf32, #tpu.memory_space<vmem>>[vector<16xi32>, vector<16xi32>], vector<16xf32>,
        tpu.vector_store_idx %arg7[%broadcast_in_dim3A_115, %and3A_119], %gather3A {add = true} : memref<24x576xf32, #tpu.memory_space<vmem>>[vector<16xi32>, vector<16xi32>], vector<16xf32>,
        tpu.vector_store_idx %arg7[%broadcast_in_dim3A_115, %and3A_127], %gather3A_131 {add = true} : memref<24x576xf32, #tpu.memory_space<vmem>>[vector<16xi32>, vector<16xi32>], vector<16xf32>,
        tpu.vector_store_idx %arg7[%broadcast_in_dim3A_115, %and3A_137], %gather3A_141 {add = true} : memref<24x576xf32, #tpu.memory_space<vmem>>[vector<16xi32>, vector<16xi32>], vector<16xf32>,
        tpu.vector_store_idx %arg7[%broadcast_in_dim3A_115, %and3A_147], %gather3A_151 {add = true} : memref<24x576xf32, #tpu.memory_space<vmem>>[vector<16xi32>, vector<16xi32>], vector<16xf32>,
        tpu.vector_store_idx %arg7[%broadcast_in_dim3A_115, %and3A_157], %gather3A_161 {add = true} : memref<24x576xf32, #tpu.memory_space<vmem>>[vector<16xi32>, vector<16xi32>], vector<16xf32>,
        tpu.vector_store_idx %arg7[%broadcast_in_dim3A_115, %and3A_167], %gather3A_171 {add = true} : memref<24x576xf32, #tpu.memory_space<vmem>>[vector<16xi32>, vector<16xi32>], vector<16xf32>,
        tpu.vector_store_idx %arg7[%broadcast_in_dim3A_115, %and3A_177], %gather3A_181 {add = true} : memref<24x576xf32, #tpu.memory_space<vmem>>[vector<16xi32>, vector<16xi32>], vector<16xf32>,
        tpu.vector_store_idx %arg7[%broadcast_in_dim3A_115, %and3A_187], %gather3A_191 {add = true} : memref<24x576xf32, #tpu.memory_space<vmem>>[vector<16xi32>, vector<16xi32>], vector<16xf32>,
        tpu.vector_store_idx %arg7[%broadcast_in_dim3A_115, %and3A_197], %gather3A_201 {add = true} : memref<24x576xf32, #tpu.memory_space<vmem>>[vector<16xi32>, vector<16xi32>], vector<16xf32>,
        tpu.vector_store_idx %arg7[%broadcast_in_dim3A_115, %and3A_207], %gather3A_211 {add = true} : memref<24x576xf32, #tpu.memory_space<vmem>>[vector<16xi32>, vector<16xi32>], vector<16xf32>,
        tpu.vector_store_idx %arg7[%broadcast_in_dim3A_115, %and3A_217], %gather3A_221 {add = true} : memref<24x576xf32, #tpu.memory_space<vmem>>[vector<16xi32>, vector<16xi32>], vector<16xf32>,
        tpu.vector_store_idx %arg7[%broadcast_in_dim3A_115, %and3A_227], %gather3A_231 {add = true} : memref<24x576xf32, #tpu.memory_space<vmem>>[vector<16xi32>, vector<16xi32>], vector<16xf32>,
        tpu.vector_store_idx %arg7[%broadcast_in_dim3A_115, %and3A_237], %gather3A_241 {add = true} : memref<24x576xf32, #tpu.memory_space<vmem>>[vector<16xi32>, vector<16xi32>], vector<16xf32>,
        tpu.vector_store_idx %arg7[%broadcast_in_dim3A_115, %and3A_247], %gather3A_251 {add = true} : memref<24x576xf32, #tpu.memory_space<vmem>>[vector<16xi32>, vector<16xi32>], vector<16xf32>,
        tpu.vector_store_idx %arg7[%broadcast_in_dim3A_115, %and3A_257], %gather3A_261 {add = true} : memref<24x576xf32, #tpu.memory_space<vmem>>[vector<16xi32>, vector<16xi32>], vector<16xf32>,
        tpu.vector_store_idx %arg7[%broadcast_in_dim3A_115, %and3A_267], %gather3A_271 {add = true} : memref<24x576xf32, #tpu.memory_space<vmem>>[vector<16xi32>, vector<16xi32>], vector<16xf32>,
        %scan3A_272 = arith.constant 0 : i32
        scf.yield %scan3A_272 : i32
      }
      %scan3A_70 = arith.constant 8 : i32
      %add3A_71 = arith.constant 16 : i32
      %add3A_72 = arith.addi %mul3A_2, %add3A_71 : i32
      %dma_start3A_73 = arith.constant 16 : i32
      %dma_start3A_74 = arith.constant 0 : i32
      %dma_start3A_75 = tpu.memref_slice %arg7[%dma_start3A_73, %dma_start3A_74] : memref<24x576xf32, #tpu.memory_space<vmem>> -> memref<8x576xf32, #tpu.memory_space<vmem>>
      %dma_start3A_76 = arith.constant 0 : i32
      %dma_start3A_77 = tpu.memref_slice %arg4[%add3A_72, %dma_start3A_76] : memref<576x576xf32, #tpu.memory_space<hbm>> -> memref<8x576xf32, #tpu.memory_space<hbm>>
      %dma_start3A_78 = arith.constant 0 : i32
      %dma_start3A_79 = tpu.memref_slice %arg4[%add3A_72, %dma_start3A_78] : memref<576x576xf32, #tpu.memory_space<hbm>> -> memref<8x576xf32, #tpu.memory_space<hbm>>
      %dma_start3A_80 = arith.constant 16 : i32
      %dma_start3A_81 = arith.constant 0 : i32
      %dma_start3A_82 = tpu.memref_slice %arg7[%dma_start3A_80, %dma_start3A_81] : memref<24x576xf32, #tpu.memory_space<vmem>> -> memref<8x576xf32, #tpu.memory_space<vmem>>
      tpu.enqueue_dma source(%dma_start3A_82 : memref<8x576xf32, #tpu.memory_space<vmem>>) target(%dma_start3A_79 : memref<8x576xf32, #tpu.memory_space<hbm>>) target_semaphore(%arg8 : memref<!tpu.dma_semaphore, #tpu.memory_space<semaphore_mem>>)
      %dma_wait3A_83 = arith.constant 0 : i32
      %dma_wait3A_84 = arith.constant 0 : i32
      %dma_wait3A_85 = tpu.memref_slice %arg7[%dma_wait3A_83, %dma_wait3A_84] : memref<24x576xf32, #tpu.memory_space<vmem>> -> memref<8x576xf32, #tpu.memory_space<vmem>>
      %dma_wait3A_86 = arith.constant 0 : i32
      %dma_wait3A_87 = tpu.memref_slice %arg4[%add3A_34, %dma_wait3A_86] : memref<576x576xf32, #tpu.memory_space<hbm>> -> memref<8x576xf32, #tpu.memory_space<hbm>>
      %dma_wait3A_88 = arith.constant 0 : i32
      %dma_wait3A_89 = tpu.memref_slice %arg4[%add3A_34, %dma_wait3A_88] : memref<576x576xf32, #tpu.memory_space<hbm>> -> memref<8x576xf32, #tpu.memory_space<hbm>>
      %dma_wait3A_90 = arith.constant 0 : i32
      %dma_wait3A_91 = arith.constant 0 : i32
      %dma_wait3A_92 = tpu.memref_slice %arg7[%dma_wait3A_90, %dma_wait3A_91] : memref<24x576xf32, #tpu.memory_space<vmem>> -> memref<8x576xf32, #tpu.memory_space<vmem>>
      tpu.wait_dma2 semaphore(%arg8 : memref<!tpu.dma_semaphore, #tpu.memory_space<semaphore_mem>>) src(%dma_wait3A_92 : memref<8x576xf32, #tpu.memory_space<vmem>>) dst(%dma_wait3A_89 : memref<8x576xf32, #tpu.memory_space<hbm>>)
      %dma_wait3A_93 = arith.constant 8 : i32
      %dma_wait3A_94 = arith.constant 0 : i32
      %dma_wait3A_95 = tpu.memref_slice %arg7[%dma_wait3A_93, %dma_wait3A_94] : memref<24x576xf32, #tpu.memory_space<vmem>> -> memref<8x576xf32, #tpu.memory_space<vmem>>
      %dma_wait3A_96 = arith.constant 0 : i32
      %dma_wait3A_97 = tpu.memref_slice %arg4[%add3A_53, %dma_wait3A_96] : memref<576x576xf32, #tpu.memory_space<hbm>> -> memref<8x576xf32, #tpu.memory_space<hbm>>
      %dma_wait3A_98 = arith.constant 0 : i32
      %dma_wait3A_99 = tpu.memref_slice %arg4[%add3A_53, %dma_wait3A_98] : memref<576x576xf32, #tpu.memory_space<hbm>> -> memref<8x576xf32, #tpu.memory_space<hbm>>
      %dma_wait3A_100 = arith.constant 8 : i32
      %dma_wait3A_101 = arith.constant 0 : i32
      %dma_wait3A_102 = tpu.memref_slice %arg7[%dma_wait3A_100, %dma_wait3A_101] : memref<24x576xf32, #tpu.memory_space<vmem>> -> memref<8x576xf32, #tpu.memory_space<vmem>>
      tpu.wait_dma2 semaphore(%arg8 : memref<!tpu.dma_semaphore, #tpu.memory_space<semaphore_mem>>) src(%dma_wait3A_102 : memref<8x576xf32, #tpu.memory_space<vmem>>) dst(%dma_wait3A_99 : memref<8x576xf32, #tpu.memory_space<hbm>>)
      %dma_wait3A_103 = arith.constant 16 : i32
      %dma_wait3A_104 = arith.constant 0 : i32
      %dma_wait3A_105 = tpu.memref_slice %arg7[%dma_wait3A_103, %dma_wait3A_104] : memref<24x576xf32, #tpu.memory_space<vmem>> -> memref<8x576xf32, #tpu.memory_space<vmem>>
      %dma_wait3A_106 = arith.constant 0 : i32
      %dma_wait3A_107 = tpu.memref_slice %arg4[%add3A_72, %dma_wait3A_106] : memref<576x576xf32, #tpu.memory_space<hbm>> -> memref<8x576xf32, #tpu.memory_space<hbm>>
      %dma_wait3A_108 = arith.constant 0 : i32
      %dma_wait3A_109 = tpu.memref_slice %arg4[%add3A_72, %dma_wait3A_108] : memref<576x576xf32, #tpu.memory_space<hbm>> -> memref<8x576xf32, #tpu.memory_space<hbm>>
      %dma_wait3A_110 = arith.constant 16 : i32
      %dma_wait3A_111 = arith.constant 0 : i32
      %dma_wait3A_112 = tpu.memref_slice %arg7[%dma_wait3A_110, %dma_wait3A_111] : memref<24x576xf32, #tpu.memory_space<vmem>> -> memref<8x576xf32, #tpu.memory_space<vmem>>
      tpu.wait_dma2 semaphore(%arg8 : memref<!tpu.dma_semaphore, #tpu.memory_space<semaphore_mem>>) src(%dma_wait3A_112 : memref<8x576xf32, #tpu.memory_space<vmem>>) dst(%dma_wait3A_109 : memref<8x576xf32, #tpu.memory_space<hbm>>)
    } else {
    }
    return
  }
}

module attributes {stable_mosaic.version = 14 : i64} {
  func.func @_tc_proj_kernel(%arg0: memref<572x128xf32, #tpu.memory_space<vmem>>, %arg1: memref<128x128xf32, #tpu.memory_space<vmem>>, %arg2: memref<67x128xf32, #tpu.memory_space<vmem>>, %arg3: memref<256x128xf32, #tpu.memory_space<vmem>>, %arg4: memref<1x128xf32, #tpu.memory_space<vmem>>, %arg5: memref<572x128xf32, #tpu.memory_space<vmem>>, %arg6: memref<572x256xi32, #tpu.memory_space<vmem>>, %arg7: memref<572x256xi32, #tpu.memory_space<vmem>>, %arg8: memref<576x128xf32, #tpu.memory_space<vmem>>, %arg9: memref<576x128xf32, #tpu.memory_space<vmem>>, %arg10: memref<576x128xf32, #tpu.memory_space<vmem>>, %arg11: memref<576x256xi32, #tpu.memory_space<vmem>>) attributes {dimension_semantics = [], scalar_prefetch = 0 : i64, scratch_operands = 0 : i64, tpu.core_type = #tpu.core_type<tc>} {
    %get3A = arith.constant 0 : index
    %get3A_0 = arith.constant 0 : index
    %get3A_1 = vector.load %arg0[%get3A, %get3A_0] : memref<572x128xf32, #tpu.memory_space<vmem>>, vector<572x128xf32>
    %broadcast_in_dim3A = arith.constant 0.000000e+00 : f32
    %broadcast_in_dim3A_2 = vector.broadcast %broadcast_in_dim3A : f32 to vector<4x128xf32>
    %get3A_3 = arith.constant 0 : index
    %get3A_4 = arith.constant 0 : index
    %get3A_5 = vector.load %arg1[%get3A_3, %get3A_4] : memref<128x128xf32, #tpu.memory_space<vmem>>, vector<128x128xf32>
    %dot_general3A = arith.constant dense<0.000000e+00> : vector<572x128xf32>
    %dot_general3A_6 = tpu.matmul %get3A_1, %get3A_5, %dot_general3A {dimension_numbers = #tpu.dot_dimension_numbers<[1], [0], [0], [1], [0, 0, 1, 1], [], []>, transpose_lhs_hint = false} : vector<572x128xf32>, vector<128x128xf32>, vector<572x128xf32> -> vector<572x128xf32>
    %get3A_7 = arith.constant 0 : index
    %get3A_8 = arith.constant 0 : index
    %get3A_9 = vector.load %arg2[%get3A_7, %get3A_8] : memref<67x128xf32, #tpu.memory_space<vmem>>, vector<67x128xf32>
    %dot_general3A_10 = arith.constant dense<0.000000e+00> : vector<572x67xf32>
    %dot_general3A_11 = tpu.matmul %dot_general3A_6, %get3A_9, %dot_general3A_10 {dimension_numbers = #tpu.dot_dimension_numbers<[1], [1], [0], [0], [0, 0, 1, 0], [], []>, transpose_lhs_hint = false} : vector<572x128xf32>, vector<67x128xf32>, vector<572x67xf32> -> vector<572x67xf32>
    %exp3A = math.exp %dot_general3A_11 : vector<572x67xf32>
    %swap3A = arith.constant 0 : index
    %swap3A_12 = arith.constant 0 : index
    %swap3A_13 = vector.load %arg8[%swap3A, %swap3A_12] : memref<576x128xf32, #tpu.memory_space<vmem>>, vector<572x67xf32>
    tpu.vector_store %arg8[%swap3A, %swap3A_12], %exp3A {strides = array<i32>} : memref<576x128xf32, #tpu.memory_space<vmem>>, vector<572x67xf32>,
    %get3A_14 = arith.constant 128 : index
    %get3A_15 = arith.constant 0 : index
    %get3A_16 = vector.load %arg3[%get3A_14, %get3A_15] : memref<256x128xf32, #tpu.memory_space<vmem>>, vector<128x128xf32>
    %dot_general3A_17 = arith.constant dense<0.000000e+00> : vector<572x128xf32>
    %dot_general3A_18 = tpu.matmul %get3A_1, %get3A_16, %dot_general3A_17 {dimension_numbers = #tpu.dot_dimension_numbers<[1], [0], [0], [1], [0, 0, 1, 1], [], []>, transpose_lhs_hint = false} : vector<572x128xf32>, vector<128x128xf32>, vector<572x128xf32> -> vector<572x128xf32>
    %get3A_19 = arith.constant 0 : index
    %get3A_20 = arith.constant 0 : index
    %get3A_21 = vector.load %arg4[%get3A_19, %get3A_20] : memref<1x128xf32, #tpu.memory_space<vmem>>, vector<1x128xf32>
    %add3A = vector.broadcast %get3A_21 : vector<1x128xf32> to vector<572x128xf32>
    %add3A_22 = arith.addf %dot_general3A_18, %add3A : vector<572x128xf32>
    %concatenate3A = tpu.concatenate %add3A_22, %broadcast_in_dim3A_2 in 0 : vector<572x128xf32>, vector<4x128xf32> -> vector<576x128xf32>
    %swap3A_23 = arith.constant 0 : index
    %swap3A_24 = arith.constant 0 : index
    %swap3A_25 = vector.load %arg9[%swap3A_23, %swap3A_24] : memref<576x128xf32, #tpu.memory_space<vmem>>, vector<576x128xf32>
    tpu.vector_store %arg9[%swap3A_23, %swap3A_24], %concatenate3A {strides = array<i32>} : memref<576x128xf32, #tpu.memory_space<vmem>>, vector<576x128xf32>,
    %get3A_26 = arith.constant 0 : index
    %get3A_27 = arith.constant 0 : index
    %get3A_28 = vector.load %arg5[%get3A_26, %get3A_27] : memref<572x128xf32, #tpu.memory_space<vmem>>, vector<572x128xf32>
    %get3A_29 = arith.constant 0 : index
    %get3A_30 = arith.constant 0 : index
    %get3A_31 = vector.load %arg3[%get3A_29, %get3A_30] : memref<256x128xf32, #tpu.memory_space<vmem>>, vector<128x128xf32>
    %dot_general3A_32 = arith.constant dense<0.000000e+00> : vector<572x128xf32>
    %dot_general3A_33 = tpu.matmul %get3A_28, %get3A_31, %dot_general3A_32 {dimension_numbers = #tpu.dot_dimension_numbers<[1], [0], [0], [1], [0, 0, 1, 1], [], []>, transpose_lhs_hint = false} : vector<572x128xf32>, vector<128x128xf32>, vector<572x128xf32> -> vector<572x128xf32>
    %concatenate3A_34 = tpu.concatenate %dot_general3A_33, %broadcast_in_dim3A_2 in 0 : vector<572x128xf32>, vector<4x128xf32> -> vector<576x128xf32>
    %swap3A_35 = arith.constant 0 : index
    %swap3A_36 = arith.constant 0 : index
    %swap3A_37 = vector.load %arg10[%swap3A_35, %swap3A_36] : memref<576x128xf32, #tpu.memory_space<vmem>>, vector<576x128xf32>
    tpu.vector_store %arg10[%swap3A_35, %swap3A_36], %concatenate3A_34 {strides = array<i32>} : memref<576x128xf32, #tpu.memory_space<vmem>>, vector<576x128xf32>,
    %get3A_38 = arith.constant 0 : index
    %get3A_39 = arith.constant 0 : index
    %get3A_40 = vector.load %arg6[%get3A_38, %get3A_39] : memref<572x256xi32, #tpu.memory_space<vmem>>, vector<572x256xi32>
    %shift_left3A = arith.constant 10 : i32
    %shift_left3A_41 = vector.broadcast %shift_left3A : i32 to vector<572x256xi32>
    %shift_left3A_42 = arith.shli %get3A_40, %shift_left3A_41 : vector<572x256xi32>
    %get3A_43 = arith.constant 0 : index
    %get3A_44 = arith.constant 0 : index
    %get3A_45 = vector.load %arg7[%get3A_43, %get3A_44] : memref<572x256xi32, #tpu.memory_space<vmem>>, vector<572x256xi32>
    %or3A = arith.ori %shift_left3A_42, %get3A_45 : vector<572x256xi32>
    %broadcast_in_dim3A_46 = arith.constant 0 : i32
    %broadcast_in_dim3A_47 = vector.broadcast %broadcast_in_dim3A_46 : i32 to vector<4x256xi32>
    %concatenate3A_48 = tpu.concatenate %or3A, %broadcast_in_dim3A_47 in 0 : vector<572x256xi32>, vector<4x256xi32> -> vector<576x256xi32>
    %swap3A_49 = arith.constant 0 : index
    %swap3A_50 = arith.constant 0 : index
    %swap3A_51 = vector.load %arg11[%swap3A_49, %swap3A_50] : memref<576x256xi32, #tpu.memory_space<vmem>>, vector<576x256xi32>
    tpu.vector_store %arg11[%swap3A_49, %swap3A_50], %concatenate3A_48 {strides = array<i32>} : memref<576x256xi32, #tpu.memory_space<vmem>>, vector<576x256xi32>,
    return
  }
}

module attributes {stable_mosaic.version = 14 : i64} {
  func.func @_tc_out_kernel(%arg0: memref<576x576xf32, #tpu.memory_space<vmem>>, %arg1: memref<576x128xf32, #tpu.memory_space<vmem>>, %arg2: memref<576x128xf32, #tpu.memory_space<vmem>>, %arg3: memref<1x128xf32, #tpu.memory_space<vmem>>, %arg4: memref<1x128xf32, #tpu.memory_space<vmem>>, %arg5: memref<572x128xf32, #tpu.memory_space<vmem>>) attributes {dimension_semantics = [], scalar_prefetch = 0 : i64, scratch_operands = 0 : i64, tpu.core_type = #tpu.core_type<tc>} {
    %get3A = arith.constant 0 : index
    %get3A_0 = arith.constant 0 : index
    %get3A_1 = vector.load %arg0[%get3A, %get3A_0] : memref<576x576xf32, #tpu.memory_space<vmem>>, vector<576x576xf32>
    %reduce_sum3A = arith.constant dense<0.000000e+00> : vector<576xf32>
    %reduce_sum3A_2 = vector.multi_reduction <add>, %get3A_1, %reduce_sum3A [1] : vector<576x576xf32> to vector<576xf32>
    %broadcast_in_dim3A = vector.shape_cast %reduce_sum3A_2 : vector<576xf32> to vector<576x1xf32>
    %get3A_3 = arith.constant 0 : index
    %get3A_4 = arith.constant 0 : index
    %get3A_5 = vector.load %arg1[%get3A_3, %get3A_4] : memref<576x128xf32, #tpu.memory_space<vmem>>, vector<576x128xf32>
    %dot_general3A = arith.constant dense<0.000000e+00> : vector<576x128xf32>
    %dot_general3A_6 = tpu.matmul %get3A_1, %get3A_5, %dot_general3A {dimension_numbers = #tpu.dot_dimension_numbers<[1], [0], [0], [1], [0, 0, 1, 1], [], []>, transpose_lhs_hint = false} : vector<576x576xf32>, vector<576x128xf32>, vector<576x128xf32> -> vector<576x128xf32>
    %div3A = vector.broadcast %broadcast_in_dim3A : vector<576x1xf32> to vector<576x128xf32>
    %div3A_7 = arith.divf %dot_general3A_6, %div3A : vector<576x128xf32>
    %get3A_8 = arith.constant 0 : index
    %get3A_9 = arith.constant 0 : index
    %get3A_10 = vector.load %arg2[%get3A_8, %get3A_9] : memref<576x128xf32, #tpu.memory_space<vmem>>, vector<576x128xf32>
    %add3A = arith.addf %div3A_7, %get3A_10 : vector<576x128xf32>
    %max3A = arith.constant 0.000000e+00 : f32
    %max3A_11 = vector.broadcast %max3A : f32 to vector<576x128xf32>
    %max3A_12 = arith.maximumf %add3A, %max3A_11 : vector<576x128xf32>
    %iota3A = tpu.iota {dimensions = array<i32: 0>} : vector<576x1xi32>
    %lt3A = arith.constant 572 : i32
    %lt3A_13 = vector.broadcast %lt3A : i32 to vector<576x1xi32>
    %lt3A_14 = arith.cmpi slt, %iota3A, %lt3A_13 : vector<576x1xi32>
    %jit3A = arith.constant 0.000000e+00 : f32
    %broadcast_in_dim3A_15 = vector.shape_cast %lt3A_14 : vector<576x1xi1> to vector<576x1xi1>
    %broadcast_in_dim3A_16 = vector.broadcast %broadcast_in_dim3A_15 : vector<576x1xi1> to vector<576x128xi1>
    %broadcast_in_dim3A_17 = vector.broadcast %jit3A : f32 to vector<576x128xf32>
    %select_n3A = arith.select %broadcast_in_dim3A_16, %max3A_12, %broadcast_in_dim3A_17 : vector<576x128xi1>, vector<576x128xf32>
    %reduce_sum3A_18 = arith.constant dense<0.000000e+00> : vector<128xf32>
    %reduce_sum3A_19 = vector.multi_reduction <add>, %select_n3A, %reduce_sum3A_18 [0] : vector<576x128xf32> to vector<128xf32>
    %broadcast_in_dim3A_20 = vector.shape_cast %reduce_sum3A_19 : vector<128xf32> to vector<1x128xf32>
    %mul3A = arith.constant 0.00174825173 : f32
    %mul3A_21 = vector.broadcast %mul3A : f32 to vector<1x128xf32>
    %mul3A_22 = arith.mulf %broadcast_in_dim3A_20, %mul3A_21 : vector<1x128xf32>
    %sub3A = vector.broadcast %mul3A_22 : vector<1x128xf32> to vector<576x128xf32>
    %sub3A_23 = arith.subf %max3A_12, %sub3A : vector<576x128xf32>
    %jit3A_24 = arith.constant 0.000000e+00 : f32
    %broadcast_in_dim3A_25 = vector.shape_cast %lt3A_14 : vector<576x1xi1> to vector<576x1xi1>
    %broadcast_in_dim3A_26 = vector.broadcast %broadcast_in_dim3A_25 : vector<576x1xi1> to vector<576x128xi1>
    %broadcast_in_dim3A_27 = vector.broadcast %jit3A_24 : f32 to vector<576x128xf32>
    %select_n3A_28 = arith.select %broadcast_in_dim3A_26, %sub3A_23, %broadcast_in_dim3A_27 : vector<576x128xi1>, vector<576x128xf32>
    %mul3A_29 = arith.mulf %select_n3A_28, %select_n3A_28 : vector<576x128xf32>
    %reduce_sum3A_30 = arith.constant dense<0.000000e+00> : vector<128xf32>
    %reduce_sum3A_31 = vector.multi_reduction <add>, %mul3A_29, %reduce_sum3A_30 [0] : vector<576x128xf32> to vector<128xf32>
    %broadcast_in_dim3A_32 = vector.shape_cast %reduce_sum3A_31 : vector<128xf32> to vector<1x128xf32>
    %mul3A_33 = arith.constant 0.00174825173 : f32
    %mul3A_34 = vector.broadcast %mul3A_33 : f32 to vector<1x128xf32>
    %mul3A_35 = arith.mulf %broadcast_in_dim3A_32, %mul3A_34 : vector<1x128xf32>
    %get3A_36 = arith.constant 0 : index
    %get3A_37 = arith.constant 0 : index
    %get3A_38 = vector.load %arg3[%get3A_36, %get3A_37] : memref<1x128xf32, #tpu.memory_space<vmem>>, vector<1x128xf32>
    %sub3A_39 = vector.broadcast %mul3A_22 : vector<1x128xf32> to vector<576x128xf32>
    %sub3A_40 = arith.subf %max3A_12, %sub3A_39 : vector<576x128xf32>
    %mul3A_41 = vector.broadcast %get3A_38 : vector<1x128xf32> to vector<576x128xf32>
    %mul3A_42 = arith.mulf %mul3A_41, %sub3A_40 : vector<576x128xf32>
    %add3A_43 = arith.constant 9.99999974E-6 : f32
    %add3A_44 = vector.broadcast %add3A_43 : f32 to vector<1x128xf32>
    %add3A_45 = arith.addf %mul3A_35, %add3A_44 : vector<1x128xf32>
    %rsqrt3A = math.rsqrt %add3A_45 : vector<1x128xf32>
    %mul3A_46 = vector.broadcast %rsqrt3A : vector<1x128xf32> to vector<576x128xf32>
    %mul3A_47 = arith.mulf %mul3A_42, %mul3A_46 : vector<576x128xf32>
    %get3A_48 = arith.constant 0 : index
    %get3A_49 = arith.constant 0 : index
    %get3A_50 = vector.load %arg4[%get3A_48, %get3A_49] : memref<1x128xf32, #tpu.memory_space<vmem>>, vector<1x128xf32>
    %add3A_51 = vector.broadcast %get3A_50 : vector<1x128xf32> to vector<576x128xf32>
    %add3A_52 = arith.addf %mul3A_47, %add3A_51 : vector<576x128xf32>
    %slice3A = vector.extract_strided_slice %add3A_52 {offsets = [0, 0], sizes = [572, 128], strides = [1, 1]} : vector<576x128xf32> to vector<572x128xf32>
    %swap3A = arith.constant 0 : index
    %swap3A_53 = arith.constant 0 : index
    %swap3A_54 = vector.load %arg5[%swap3A, %swap3A_53] : memref<572x128xf32, #tpu.memory_space<vmem>>, vector<572x128xf32>
    tpu.vector_store %arg5[%swap3A, %swap3A_53], %slice3A {strides = array<i32>} : memref<572x128xf32, #tpu.memory_space<vmem>>, vector<572x128xf32>,
    return
  }
}

</mosaic_0001>

<sc_bundles>
// kernel: kernel.5.cloned.1.call-start
scs
__scs_entry_jumppad:
0x0: {  	(pc) =	sbr.rel $0x88, $3  }
0x1: {  	(tag) =	ssettag $0x0;
	lr =	simm.s32 $0x1  }
0x2: {  	[smem:$0x3F97] =	sst lr;
	_ =	strace $0xD0000000  }
0x3: {  	_ = 	snop  }
0x4: {  	_ = 	snop  }
0x5: {  	_ = 	snop  }
0x6: {  	_ = 	snop  }
0x7: {  	_ = 	snop  }
__scs_overlays_trampoline_lowered:
0x8: {  	[smem:$0x3FA6] =	sst s0  }
0x9: {  	[smem:$0x3FA7] =	sst s1  }
0xa: {  	[smem:$0x3FA8] =	sst s2  }
0xb: {  	[smem:$0x3FA9] =	sst s3  }
0xc: {  	[smem:$0x3FAA] =	sst s4  }
0xd: {  	[smem:$0x3FAB] =	sst s5  }
0xe: {  	[smem:$0x3FAC] =	sst s6  }
0xf: {  	[smem:$0x3FAD] =	sst s7  }
0x10: {  	[smem:$0x3FAE] =	sst s8  }
0x11: {  	[smem:$0x3FAF] =	sst s9;
	s0 =	simm.s32 @!p0 $0x0  }
0x12: {  	s1 =	sld [smem:$0x3F95];
	s0 =	simm.s32 @p0 $0x1  }
0x13: {  	[smem:$0x3FB0] =	sst s0;
	s0 =	simm.s32 @!p1 $0x0  }
0x14: {  	s2 =	sld [smem:$0x3F94];
	s0 =	simm.s32 @p1 $0x1  }
0x15: {  	[smem:$0x3FB1] =	sst s0;
	s0 =	simm.s32 @!p2 $0x0  }
0x16: {  	s3 =	sld [smem:$0x3FDB];
	s0 =	simm.s32 @p2 $0x1  }
0x17: {  	s4 =	simm.s32 $0x1BF5;
	[smem:$0x3FB3] =	sst s0  }
0x18: {  	s0 =	sld [smem:$0x3F96];
	_ =	swait.ge [sflag:s4], $0x0  }
0x19: {  	s7 =	sld [smem:$0x3F97]  }
0x1a: {  	s8 =	sadd.s32 $0xFFFFE003, lr  }
0x1b: {  	s9 =	sadd.s32 $0xFFFFFEF7, lr;
	s5 =	simm.s32 $0xFFFFFFFF;
	p2 =	slt.u32 s8, $0xFFFFF086  }
0x1c: {  	p1 =	slt.u32 s9, $0xF7A;
	s5 =	simm.s32 @!p2 $0x0  }
0x1d: {  	s5 =	simm.s32 @p1 $0x1;
	p0 =	seq.s32 s7, s2  }
0x1e: {  	s7 =	smul.u32 @!p0 $0xF7A, s2;
	p2 =	seq.s32 @!p0 s5, $0x0  }
0x1f: {  	s9 =	smul.u32 $0xF7A, s1;
	s8 =	simm.s32 @!p0 $0x1BF5;
	p2 =	por !p2, p0  }
0x20: {  	[sflag:s8] =	ssyncset.s32 @!p0 $0xFFFFF086;
	s6 =	sadd.s32 @!p0 s3, s7;
	s7 =	simm.s32 @!p0 $0x108  }
0x21: {  	s3 =	sadd.s32 s3, s9;
	s6 =	sadd.s32 @!p0 $0x88, s6;
	s7 =	simm.s32 @p2 $0x1082  }
0x22: {  	[simem:s7], [sflag:s8] =	dma.local @!p0 [hbm:s6], $0xF7A  }
0x23: {  	s9 =	sor.u32 $0xD0000000, s2;
	s6 =	simm.s32 $0x108;
	_ =	swait.ge @!p0 [sflag:s8], $0x0  }
0x24: {  	s3 =	sadd.s32 $0x88, s3;
	s6 =	simm.s32 @!p1 $0x1082;
	[sflag:s4] =	ssyncset.s32 $0xFFFFF086  }
0x25: {  	[simem:s6], [sflag:s4] =	dma.local [hbm:s3], $0xF7A  }
0x26: {  	[smem:$0x3F97] =	sst s1;
	(tag) =	ssettag s2;
	_ =	strace s9  }
0x27: {  	s1 =	sld [smem:$0x3FA7]  }
0x28: {  	s2 =	sld [smem:$0x3FA8]  }
0x29: {  	s4 =	sld [smem:$0x3FAA]  }
0x2a: {  	p0 =	seq.s32 s5, $0x0;
	s5 =	sld [smem:$0x3FAB]  }
0x2b: {  	s6 =	sld [smem:$0x3FAC]  }
0x2c: {  	s7 =	sld [smem:$0x3FAD]  }
0x2d: {  	s3 =	simm.s32 $0x108;
	s8 =	sld [smem:$0x3FAE]  }
0x2e: {  	s3 =	simm.s32 @!p0 $0x1082;
	s9 =	sld [smem:$0x3FAF]  }
0x2f: {  	lr =	sadd.s32 s0, s3;
	s0 =	sld [smem:$0x3FA6]  }
0x30: {  	s3 =	sld [smem:$0x3FA9]  }
0x31: {  	[smem:$0x3FB2] =	sst s10  }
0x32: {  	s10 =	sld [smem:$0x3FB0];
	_ =	sdelay $0x3  }
0x33: {  	p0 =	seq.s32 s10, $0x1;
	s10 =	sld [smem:$0x3FB2];
	_ =	sdelay $0x3  }
0x34: {  	[smem:$0x3FB2] =	sst s10  }
0x35: {  	s10 =	sld [smem:$0x3FB1];
	_ =	sdelay $0x3  }
0x36: {  	p1 =	seq.s32 s10, $0x1;
	s10 =	sld [smem:$0x3FB2];
	_ =	sdelay $0x3  }
0x37: {  	[smem:$0x3FB2] =	sst s10  }
0x38: {  	s10 =	sld [smem:$0x3FB3]  }
0x39: {  	_ = 	snop;
	(pc) =	sbr.ind lr, $3  }
0x3a: {  	_ = 	snop  }
0x3b: {  	_ = 	snop  }
0x3c: {  	p2 =	seq.s32 s10, $0x1;
	s10 =	sld [smem:$0x3FB2]  }
0x3d: {  	_ =	shalt  }
0x3e: {  	_ =	shalt  }
0x3f: {  	_ =	shalt  }
0x40: {  	_ =	shalt  }
0x41: {  	_ =	shalt  }
0x42: {  	_ =	shalt  }
0x43: {  	_ =	shalt  }
0x44: {  	_ =	shalt  }
0x45: {  	_ =	shalt  }
0x46: {  	_ =	shalt  }
0x47: {  	_ =	shalt  }
0x48: {  	_ =	shalt  }
0x49: {  	_ =	shalt  }
0x4a: {  	_ =	shalt  }
0x4b: {  	_ =	shalt  }
0x4c: {  	_ =	shalt  }
0x4d: {  	_ =	shalt  }
0x4e: {  	_ =	shalt  }
0x4f: {  	_ =	shalt  }
0x50: {  	_ =	shalt  }
0x51: {  	_ =	shalt  }
0x52: {  	_ =	shalt  }
0x53: {  	_ =	shalt  }
0x54: {  	_ =	shalt  }
0x55: {  	_ =	shalt  }
0x56: {  	_ =	shalt  }
0x57: {  	_ =	shalt  }
0x58: {  	_ =	shalt  }
0x59: {  	_ =	shalt  }
0x5a: {  	_ =	shalt  }
0x5b: {  	_ =	shalt  }
0x5c: {  	_ =	shalt  }
0x5d: {  	_ =	shalt  }
0x5e: {  	_ =	shalt  }
0x5f: {  	_ =	shalt  }
0x60: {  	_ =	shalt  }
0x61: {  	_ =	shalt  }
0x62: {  	_ =	shalt  }
0x63: {  	_ =	shalt  }
0x64: {  	_ =	shalt  }
0x65: {  	_ =	shalt  }
0x66: {  	_ =	shalt  }
0x67: {  	_ =	shalt  }
0x68: {  	_ =	shalt  }
0x69: {  	_ =	shalt  }
0x6a: {  	_ =	shalt  }
0x6b: {  	_ =	shalt  }
0x6c: {  	_ =	shalt  }
0x6d: {  	_ =	shalt  }
0x6e: {  	_ =	shalt  }
0x6f: {  	_ =	shalt  }
0x70: {  	_ =	shalt  }
0x71: {  	_ =	shalt  }
0x72: {  	_ =	shalt  }
0x73: {  	_ =	shalt  }
0x74: {  	_ =	shalt  }
0x75: {  	_ =	shalt  }
0x76: {  	_ =	shalt  }
0x77: {  	_ =	shalt  }
0x78: {  	_ =	shalt  }
0x79: {  	_ =	shalt  }
0x7a: {  	_ =	shalt  }
0x7b: {  	_ =	shalt  }
0x7c: {  	_ =	shalt  }
0x7d: {  	_ =	shalt  }
0x7e: {  	_ =	shalt  }
0x7f: {  	_ =	shalt  }
0x80: {  	_ =	shalt  }
0x81: {  	_ =	shalt  }
0x82: {  	_ =	shalt  }
0x83: {  	_ =	shalt  }
0x84: {  	_ =	shalt  }
0x85: {  	_ =	shalt  }
0x86: {  	_ =	shalt  }
0x87: {  	_ =	shalt  }
.Lfunc_end0:
.L_simem_size_0:
called_computation_lowered:
.L_overlay_start_0:
0x88: {  	s2 =	sld [smem:$0x3FD9]  }
0x89: {  	s3 =	sld [smem:$0x3FFE];
	_ =	sdelay $0x1  }
0x8a: {  	s1 =	srdreg.scid  }
0x8b: {  	s0 =	sand.u32 $0x1, s1  }
0x8c: {  	s17 =	sshll.u32 s0, $0xA;
	s2 =	sadd.s32 s3, s2  }
0x8d: {  	s2 =	sadd.s32 s2, s17  }
0x8e: {  	[smem:$0x3FBE] =	sst s2  }
0x8f: {  	_ = 	snop  }
0x90: {  	s2 =	sld [smem:$0x3FD0];
	(tm) =	ssettm $0x1  }
0x91: {  	s18 =	sld [smem:$0x3FFB];
	_ =	sdelay $0x3  }
0x92: {  	_ =	strace s18  }
0x93: {  	s3 =	sld [smem:$0x3FFC];
	_ =	sdelay $0x3  }
0x94: {  	_ =	strace s3  }
0x95: {  	s3 =	sld [smem:$0x3FFD];
	_ =	sdelay $0x3  }
0x96: {  	_ =	strace s3  }
0x97: {  	_ =	strace $0x8FFFFFFF  }
0x98: {  	s19 =	sld [smem:$0x3FDB];
	_ =	sdelay $0x1  }
0x99: {  	s4 =	simm.s32 $_scs_section_size  }
0x9a: {  	s5 =	simm.s32 $_size__tile_overlayer_lowered;
	s6 =	simm.s32 $_tile_overlayer_lowered  }
0x9b: {  	s22 =	simm.s32 $0x1BFF;
	s21 =	sshll.u32 s6, $0x1;
	s3 =	sadd.s32 s4, s19  }
0x9c: {  	s7 =	simm.s32 $0x0;
	s20 =	sshll.u32 s5, $0x1;
	s5 =	sadd.s32 s21, s3  }
0x9d: {  	[timem:s7], [sflag:s22] =	dma.local [hbm:s5], s20  }
0x9e: {  	_ =	swait.ge [sflag:s22], s20  }
0x9f: {  	s4 =	ssub.s32 $0x0, s20;
	[sflag:s22] =	ssyncset.done $0x0  }
0xa0: {  	[sflag:s22] =	ssyncadd.s32 s4;
	_ =	sdelay $0x1  }
0xa1: {  	s23 =	simm.s32 $0x1B8B  }
0xa2: {  	_ =	swait.ge [sflag:s23], $0x1  }
0xa3: {  	[sflag:s23] =	ssyncset.done $0x0  }
0xa4: {  	s25 =	simm.s32 $0x1B8E;
	s24 =	sld [smem:$0x3FFE];
	[sflag:s23] =	ssyncadd.s32 $0xFFFFFFFF  }
0xa5: {  	s26 =	simm.s32 $execute0_lowered;
	[smem:$0x3FD2] =	sst s25  }
0xa6: {  	s5 =	sshll.u32 s26, $0x1;
	_ =	strace $0x80000046;
	[dreg:$0x1] =	wrdreg $0xFFFFFFFF  }
0xa7: {  	s28 =	simm.s32 $_size_execute0_lowered;
	s3 =	sadd.s32 s3, s5;
	[dreg:$0x0] =	wrdreg $0x0  }
0xa8: {  	s5 =	sshll.u32 s28, $0x1;
	[dreg:$0x2] =	wrdreg s3  }
0xa9: {  	[dreg:$0x3] =	wrdreg s5  }
0xaa: {  	[dreg:$0x4] =	wrdreg $0xC0  }
0xab: {  	_ =	task [dreg:s7], $0x5FFFF  }
0xac: {  	[dreg:$0x1] =	wrdreg $0xFFFFFFFF  }
0xad: {  	[dreg:$0x0] =	wrdreg $0x60  }
0xae: {  	[dreg:$0x2] =	wrdreg s2  }
0xaf: {  	[dreg:$0x3] =	wrdreg s24  }
0xb0: {  	[dreg:$0x4] =	wrdreg $0x9  }
0xb1: {  	_ =	task.clear_ibuf [dreg:s7], $0x5FFFF;
	_ =	strace $0x90000046  }
0xb2: {  	s29 =	simm.s32 $0x9;
	_ =	strace $0x80000048  }
0xb3: {  	_ =	swait.ge [sflag:s29], $0x1  }
0xb4: {  	[sflag:s29] =	ssyncadd.s32 $0xFFFFFFFF  }
0xb5: {  	_ =	strace $0x90000048  }
0xb6: {  	_ =	sfence  }
0xb7: {  	s30 =	sld [smem:$0x0];
	_ =	sdelay $0x2  }
0xb8: {  	s31 =	sshll.u32 s1, $0xD;
	s1 =	sshrl.u32 s1, $0x2  }
0xb9: {  	s3 =	sand.u32 $0x4000, s31;
	s1 =	sadd.s32 s1, s30  }
0xba: {  	s0 =	sor.u32 s3, s0;
	s1 =	sshll.u32 s1, $0x11  }
0xbb: {  	s0 =	sor.u32 s1, s0  }
0xbc: {  	s0 =	sadd.s32 $0x8F2B, s0  }
0xbd: {  	[sflag:s0] =	ssyncadd.remote.s32 $0x1  }
0xbe: {  	_ =	sfence.sel $0xFFFF  }
0xbf: {  	[dreg:$0x0] =	wrdreg $0xFFFFFFFF;
	(pc) =	sbr.abs _section_cstart, $3  }
0xc0: {  	[dreg:$0x1] =	wrdreg $0xFFFFFFFF  }
0xc1: {  	_ =	task.clear_ibuf [dreg:s7], $0x2FFFF;
	_ =	strace $0x9FFFFFFF  }
0xc2: {  	(tm) =	ssettm $0x7FFFFFFF  }
0xc3: {  	_ =	shalt  }
tec
execute0_lowered:
.L_overlay_start_1:
0x0: {  	(tag) =	ssettag $0x1  }
0x1: {  	s1 =	stileid.u32  }
0x2: {  	p0 =	sgt.u32 s1, $0xB  }
.Ltmp0:
0x3: {  	_ = 	snop;
	(pc) =	sbr.rel @p0 .LBB2_11-.Ltmp0, $4  }
0x4: {  	s7 =	rddreg [dreg:$0x0]  }
0x5: {  	s3 =	rddreg [dreg:$0x1];
	s2 =	simm.s32 $0x0  }
0x6: {  	[smem:$0x7FF] =	sst s2  }
0x7: {  	s0 =	rddreg [dreg:$0x2];
	_ =	strace $0x80000047  }
0x8: {  	s4 =	srdreg.scid  }
0x9: {  	s5 =	sshll.u32 s1, $0x1;
	s4 =	sand.u32 $0x1, s4  }
0xa: {  	s5 =	sor.u32 s4, s5  }
0xb: {  	s6 =	smul.u32 $0x18, s5  }
0xc: {  	s9 =	sadd.s32 $0x2000, s3;
	s10 =	sadd.s32 $0x6800, s3;
	s12 =	smul.u32 $0x300, s5  }
0xd: {  	s13 =	smul.u32 $0x180, s5;
	s8 =	sshrl.u32 s6, $0x3;
	s6 =	sadd.s32 $0x8, s6  }
0xe: {  	s11 =	ssub.s32 $0x2, s4;
	s8 =	smul.u32 $0x280, s8;
	s6 =	sshrl.u32 s6, $0x3  }
0xf: {  	s14 =	simm.s32 $0x0;
	s31 =	sshrl.u32 s11, $0x1;
	s6 =	smul.u32 $0x280, s6  }
0x10: {  	s7 =	sadd.s32 s7, s13;
	s13 =	simm.s32 $0x4C00;
	s3 =	sadd.s32 s10, s8  }
0x11: {  	s8 =	ssub.s32 s11, s31;
	s11 =	simm.s32 $0x2400;
	s4 =	sadd.s32 s10, s6  }
0x12: {  	s5 =	sadd.s32 $0x500, s3;
	s6 =	sadd.s32 s9, s12;
	s8 =	smax.u32 s8, $0x1  }
0x13: {  	v0 =	vimm.f32 $0.0e+00;
	s9 =	simm.s32 $0xC00;
	s10 =	simm.s32 $0x1;
	s12 =	simm.s32 $0x3800  }
.LBB2_2:
0x14: {  	s15 =	simm.s32 $0x0;
	s16 =	simm.s32 $0x0  }
0x15: {  	[tilespmem:s15], [sflag:$0x1] =	stream.linear.gather [hbm4b:s7+s15], $0xC00, $0x38;
	[tilespmem:$0x6000] =	vst v63  }
0x16: {  	s16 =	smul.u32 $0x5000, s16  }
0x17: {  	[tilespmem:s9], [sflag:$0x1] =	stream.linear.gather [hbm4b:s6+s15], $0x1800, $0x38;
	[tilespmem:$0x6000] =	vst v63  }
0x18: {  	s17 =	sand.u32 $0x380, s15;
	s16 =	sshra.s32 s16, $0x2  }
0x19: {  	s16 =	sor.u32 s17, s16  }
0x1a: {  	[tilespmem:s16+$0x3430] =	vst v0  }
0x1b: {  	[tilespmem:s16+$0x2400] =	vst v0  }
0x1c: {  	[tilespmem:s16+$0x2410] =	vst v0  }
0x1d: {  	[tilespmem:s16+$0x2420] =	vst v0  }
0x1e: {  	[tilespmem:s16+$0x2430] =	vst v0  }
0x1f: {  	[tilespmem:s16+$0x2440] =	vst v0  }
0x20: {  	[tilespmem:s16+$0x2450] =	vst v0  }
0x21: {  	[tilespmem:s16+$0x2460] =	vst v0  }
0x22: {  	[tilespmem:s16+$0x2470] =	vst v0  }
0x23: {  	[tilespmem:s16+$0x2800] =	vst v0  }
0x24: {  	[tilespmem:s16+$0x2810] =	vst v0  }
0x25: {  	[tilespmem:s16+$0x2820] =	vst v0  }
0x26: {  	[tilespmem:s16+$0x2830] =	vst v0  }
0x27: {  	[tilespmem:s16+$0x2840] =	vst v0  }
0x28: {  	[tilespmem:s16+$0x2850] =	vst v0  }
0x29: {  	[tilespmem:s16+$0x2860] =	vst v0  }
0x2a: {  	[tilespmem:s16+$0x2870] =	vst v0  }
0x2b: {  	[tilespmem:s16+$0x2C00] =	vst v0  }
0x2c: {  	[tilespmem:s16+$0x2C10] =	vst v0  }
0x2d: {  	[tilespmem:s16+$0x2C20] =	vst v0  }
0x2e: {  	[tilespmem:s16+$0x2C30] =	vst v0  }
0x2f: {  	[tilespmem:s16+$0x2C40] =	vst v0  }
0x30: {  	[tilespmem:s16+$0x2C50] =	vst v0  }
0x31: {  	[tilespmem:s16+$0x2C60] =	vst v0  }
0x32: {  	[tilespmem:s16+$0x2C70] =	vst v0  }
0x33: {  	[tilespmem:s16+$0x3000] =	vst v0  }
0x34: {  	[tilespmem:s16+$0x3010] =	vst v0  }
0x35: {  	[tilespmem:s16+$0x3020] =	vst v0  }
0x36: {  	[tilespmem:s16+$0x3030] =	vst v0  }
0x37: {  	[tilespmem:s16+$0x3040] =	vst v0  }
0x38: {  	[tilespmem:s16+$0x3050] =	vst v0  }
0x39: {  	s18 =	simm.s32 $0x0;
	s17 =	simm.s32 $0x2;
	[tilespmem:s16+$0x3060] =	vst v0  }
.LBB2_3:
0x3a: {  	p0 =	sne.s32 s17, $0x17;
	s18 =	smul.u32 $0x5000, s18;
	[tilespmem:s16+$0x3070] =	vst v0  }
0x3b: {  	s15 =	sadd.s32 $0x80, s15;
	[tilespmem:s16+$0x3400] =	vst v0  }
0x3c: {  	s19 =	sand.u32 $0x380, s15;
	s18 =	sshra.s32 s18, $0x2;
	[tilespmem:s16+$0x3410] =	vst v0  }
0x3d: {  	[tilespmem:s16+$0x3420] =	vst v0;
	s16 =	sor.u32 s19, s18  }
0x3e: {  	[tilespmem:s16+$0x3430] =	vst v0  }
0x3f: {  	[tilespmem:s16+$0x2400] =	vst v0  }
0x40: {  	[tilespmem:s16+$0x2410] =	vst v0  }
0x41: {  	[tilespmem:s16+$0x2420] =	vst v0  }
0x42: {  	[tilespmem:s16+$0x2430] =	vst v0  }
0x43: {  	[tilespmem:s16+$0x2440] =	vst v0  }
0x44: {  	[tilespmem:s16+$0x2450] =	vst v0  }
0x45: {  	[tilespmem:s16+$0x2460] =	vst v0  }
0x46: {  	[tilespmem:s16+$0x2470] =	vst v0  }
0x47: {  	[tilespmem:s16+$0x2800] =	vst v0  }
0x48: {  	[tilespmem:s16+$0x2810] =	vst v0  }
0x49: {  	[tilespmem:s16+$0x2820] =	vst v0  }
0x4a: {  	[tilespmem:s16+$0x2830] =	vst v0  }
0x4b: {  	[tilespmem:s16+$0x2840] =	vst v0  }
0x4c: {  	[tilespmem:s16+$0x2850] =	vst v0  }
0x4d: {  	[tilespmem:s16+$0x2860] =	vst v0  }
0x4e: {  	[tilespmem:s16+$0x2870] =	vst v0  }
0x4f: {  	[tilespmem:s16+$0x2C00] =	vst v0  }
0x50: {  	[tilespmem:s16+$0x2C10] =	vst v0  }
0x51: {  	[tilespmem:s16+$0x2C20] =	vst v0  }
0x52: {  	[tilespmem:s16+$0x2C30] =	vst v0  }
0x53: {  	[tilespmem:s16+$0x2C40] =	vst v0  }
0x54: {  	[tilespmem:s16+$0x2C50] =	vst v0  }
0x55: {  	[tilespmem:s16+$0x2C60] =	vst v0  }
0x56: {  	[tilespmem:s16+$0x2C70] =	vst v0  }
0x57: {  	[tilespmem:s16+$0x3000] =	vst v0  }
0x58: {  	[tilespmem:s16+$0x3010] =	vst v0  }
.Ltmp1:
0x59: {  	[tilespmem:s16+$0x3020] =	vst v0;
	(pc) =	sbr.rel @p0 .LBB2_3-.Ltmp1, $4  }
0x5a: {  	[tilespmem:s16+$0x3030] =	vst v0  }
0x5b: {  	[tilespmem:s16+$0x3040] =	vst v0  }
0x5c: {  	[tilespmem:s16+$0x3050] =	vst v0  }
0x5d: {  	s18 =	sshrl.u32 s17, $0x3;
	s17 =	sadd.s32 $0x1, s17;
	[tilespmem:s16+$0x3060] =	vst v0  }
0x5e: {  	s17 =	smul.u32 $0x5000, s18;
	[tilespmem:s16+$0x3070] =	vst v0  }
0x5f: {  	[tilespmem:s16+$0x3400] =	vst v0;
	s15 =	sadd.s32 $0x80, s15  }
0x60: {  	[tilespmem:s16+$0x3410] =	vst v0;
	s15 =	sand.u32 $0x380, s15;
	s17 =	sshra.s32 s17, $0x2  }
0x61: {  	[tilespmem:s16+$0x3420] =	vst v0;
	s15 =	sor.u32 s15, s17  }
0x62: {  	[tilespmem:s15+$0x3430] =	vst v0  }
0x63: {  	[tilespmem:s15+$0x2400] =	vst v0  }
0x64: {  	[tilespmem:s15+$0x2410] =	vst v0  }
0x65: {  	[tilespmem:s15+$0x2420] =	vst v0  }
0x66: {  	[tilespmem:s15+$0x2430] =	vst v0  }
0x67: {  	[tilespmem:s15+$0x2440] =	vst v0  }
0x68: {  	[tilespmem:s15+$0x2450] =	vst v0  }
0x69: {  	[tilespmem:s15+$0x2460] =	vst v0  }
0x6a: {  	[tilespmem:s15+$0x2470] =	vst v0  }
0x6b: {  	[tilespmem:s15+$0x2800] =	vst v0  }
0x6c: {  	[tilespmem:s15+$0x2810] =	vst v0  }
0x6d: {  	[tilespmem:s15+$0x2820] =	vst v0  }
0x6e: {  	[tilespmem:s15+$0x2830] =	vst v0  }
0x6f: {  	[tilespmem:s15+$0x2840] =	vst v0  }
0x70: {  	[tilespmem:s15+$0x2850] =	vst v0  }
0x71: {  	[tilespmem:s15+$0x2860] =	vst v0  }
0x72: {  	[tilespmem:s15+$0x2870] =	vst v0  }
0x73: {  	[tilespmem:s15+$0x2C00] =	vst v0  }
0x74: {  	[tilespmem:s15+$0x2C10] =	vst v0  }
0x75: {  	[tilespmem:s15+$0x2C20] =	vst v0  }
0x76: {  	[tilespmem:s15+$0x2C30] =	vst v0  }
0x77: {  	[tilespmem:s15+$0x2C40] =	vst v0  }
0x78: {  	[tilespmem:s15+$0x2C50] =	vst v0  }
0x79: {  	[tilespmem:s15+$0x2C60] =	vst v0  }
0x7a: {  	[tilespmem:s15+$0x2C70] =	vst v0  }
0x7b: {  	[tilespmem:s15+$0x3000] =	vst v0  }
0x7c: {  	[tilespmem:s15+$0x3010] =	vst v0  }
0x7d: {  	[tilespmem:s15+$0x3020] =	vst v0  }
0x7e: {  	[tilespmem:s15+$0x3030] =	vst v0  }
0x7f: {  	[tilespmem:s15+$0x3040] =	vst v0  }
0x80: {  	[tilespmem:s15+$0x3050] =	vst v0  }
0x81: {  	[tilespmem:s15+$0x3060] =	vst v0  }
0x82: {  	[tilespmem:s15+$0x3070] =	vst v0  }
0x83: {  	[tilespmem:s15+$0x3400] =	vst v0  }
0x84: {  	[tilespmem:s15+$0x3410] =	vst v0  }
0x85: {  	[tilespmem:s15+$0x3420] =	vst v0  }
0x86: {  	_ =	swait.ge [sflag:s10], $0xC00  }
0x87: {  	[sflag:s10] =	ssyncset.done $0x0  }
0x88: {  	[sflag:s10] =	ssyncadd.s32 $0xFFFFF400  }
0x89: {  	_ =	swait.ge [sflag:s10], $0x1800  }
0x8a: {  	[sflag:s10] =	ssyncset.done $0x0  }
0x8b: {  	s15 =	simm.s32 $0x1000;
	[sflag:s10] =	ssyncadd.s32 $0xFFFFE800  }
0x8c: {  	v1 =	vld [tilespmem:s15+$0x70]  }
0x8d: {  	v4 =	vld [tilespmem:s15+$0xFFFFFC00]  }
0x8e: {  	v5 =	vld [tilespmem:s15+$0xFFFFFC10]  }
0x8f: {  	v7 =	vld [tilespmem:s15+$0xFFFFFC20]  }
0x90: {  	v3 =	vld [tilespmem:s15+$0x20]  }
0x91: {  	s31 =	simm.s32 $0x0;
	v8 =	vld [tilespmem:s15+$0xFFFFFC50]  }
0x92: {  	v2 =	vmov s31;
	v21 =	vld [tilespmem:s15+$0xFFFFFC30]  }
0x93: {  	v10 =	vshll.u32 v2, $0x7;
	v6 =	vshra.s32 v1, $0xA;
	v2 =	vshll.u32 v1, $0x3  }
0x94: {  	v11 =	vshra.s32 v4, $0xA;
	v13 =	vshll.u32 v4, $0x3;
	v16 =	vshra.s32 v5, $0xA  }
0x95: {  	v4 =	vand.u32 $0x7F, v4;
	v15 =	vshll.u32 v7, $0x3;
	v18 =	vshra.s32 v3, $0xA  }
0x96: {  	v20 =	vshra.s32 v7, $0xA;
	v7 =	vand.u32 $0x7F, v7;
	v26 =	vshra.s32 v8, $0xA  }
0x97: {  	v29 =	vshra.s32 v21, $0xA;
	v33 =	vand.u32 $0x7F, v21;
	v63 =	vshll.u32 v8, $0x3  }
0x98: {  	v9 =	vand.u32 $0x7F, v6;
	v14 =	vand.u32 $0xFFFFFF80, v11;
	v12 =	vand.u32 $0xFFFFFF80, v6  }
0x99: {  	v27 =	vld [tilespmem:s15+$0xFFFFFC60];
	v11 =	vand.u32 $0x7F, v11;
	v17 =	vand.u32 $0xFFFFFF80, v16;
	v19 =	vand.u32 $0x1C00, v15  }
0x9a: {  	v22 =	vld [tilespmem:s15+$0xFFFFFC40];
	v15 =	vand.u32 $0x7F, v18;
	v25 =	vand.u32 $0x7F, v16;
	v13 =	vand.u32 $0x1C00, v13  }
0x9b: {  	v16 =	vshll.u32 v5, $0x3;
	v18 =	vand.u32 $0xFFFFFF80, v18;
	v24 =	vand.u32 $0x7F, v20  }
0x9c: {  	v5 =	vand.u32 $0x7F, v5;
	v20 =	vand.u32 $0xFFFFFF80, v20;
	v32 =	vand.u32 $0x7F, v26  }
0x9d: {  	v34 =	vand.u32 $0x7F, v29;
	v29 =	vand.u32 $0xFFFFFF80, v29;
	v35 =	vand.u32 $0xFFFFFF80, v26  }
0x9e: {  	v26 =	vshra.s32 v27, $0xA;
	v13 =	vor.u32 v13, v4;
	v16 =	vand.u32 $0x1C00, v16  }
0x9f: {  	v7 =	vor.u32 v19, v7;
	v4 =	vbroadcast v10, $0x0;
	v10 =	vshra.s32 v22, $0xA  }
0xa0: {  	v39 =	vand.u32 $0x7F, v26;
	v5 =	vor.u32 v16, v5;
	v16 =	vand.u32 $0x7F, v10  }
0xa1: {  	v6 =	vld [tilespmem:s15+$0xFFFFFC70];
	v30 =	vand.u32 $0xFFFFFF80, v10;
	v10 =	vshll.u32 v22, $0x3;
	v23 =	vadd.s32 v4, v18  }
0xa2: {  	v18 =	vshll.u32 v21, $0x3;
	v14 =	vadd.s32 v4, v14;
	v17 =	vadd.s32 v4, v17  }
0xa3: {  	v36 =	vadd.s32 v4, v20;
	v30 =	vadd.s32 v4, v30;
	v35 =	vadd.s32 v4, v35  }
0xa4: {  	v37 =	vld [tilespmem:s15+$0x50];
	v18 =	vand.u32 $0x1C00, v18;
	v21 =	vor.u32 v11, v14;
	v11 =	vand.u32 $0x7F, v22  }
0xa5: {  	v14 =	vand.u32 $0x1C00, v10;
	v10 =	vor.u32 v4, v5;
	v22 =	vand.u32 $0x7F, v27  }
0xa6: {  	v27 =	vshll.u32 v27, $0x3;
	v35 =	vor.u32 v32, v35;
	v31 =	vshra.s32 v6, $0xA  }
0xa7: {  	v14 =	vor.u32 v14, v11;
	v11 =	vor.u32 v4, v13;
	v13 =	vand.u32 $0xFFFFFF80, v26  }
0xa8: {  	v20 =	vld [tilespmem:s15+$0x10];
	v18 =	vor.u32 v18, v33;
	v33 =	vor.u32 v24, v36;
	v36 =	vor.u32 v16, v30  }
0xa9: {  	v5 =	vld [tilespmem:s15+$0x30];
	v24 =	vand.u32 $0x1C00, v27;
	v16 =	vand.u32 $0x7F, v37;
	v19 =	vand.u32 $0xFFFFFF80, v31  }
0xaa: {  	v30 =	vor.u32 v25, v17;
	v17 =	vshra.s32 v37, $0xA;
	v28 =	vadd.s32 v4, v19;
	v19 =	vld [tilespmem:s15+$0x40]  }
0xab: {  	v26 =	vld [tilespmem:s15+$0x0];
	v25 =	vadd.s32 v4, v29;
	v41 =	vadd.s32 v4, v13;
	v13 =	vor.u32 v4, v18  }
0xac: {  	v18 =	vshll.u32 v37, $0x3;
	v38 =	vor.u32 v34, v25;
	v40 =	vand.u32 $0x7F, v31  }
0xad: {  	v32 =	vand.u32 $0x7F, v17;
	v31 =	vor.u32 v39, v41;
	v39 =	vand.u32 $0xFFFFFF80, v17;
	v17 =	vld [tilespmem:s15+$0x60]  }
0xae: {  	v37 =	vand.u32 $0x1C00, v63;
	v27 =	vshra.s32 v20, $0xA;
	v25 =	vshra.s32 v5, $0xA  }
0xaf: {  	v62 =	vand.u32 $0xFFFFFF80, v25;
	v41 =	vand.u32 $0x7F, v25;
	v29 =	vshra.s32 v19, $0xA  }
0xb0: {  	s16 =	simm.s32 $0x1;
	v25 =	vand.u32 $0x7F, v26;
	v42 =	vadd.s32 v4, v62;
	v34 =	vand.u32 $0xFFFFFF80, v29  }
.LBB2_5:
0xb1: {  	p0 =	sne.s32 s16, $0x7  }
0xb2: {  	v28 =	vor.u32 v40, v28;
	v40 =	vor.u32 v41, v42;
	v41 =	vshra.s32 v17, $0xA;
	s15 =	sadd.s32 $0x80, s15;
	s17 =	smov.u32 s16;
	s16 =	sadd.s32 $0x1, s16  }
0xb3: {  	v42 =	vand.u32 $0xFFFFFF80, v27;
	v39 =	vadd.s32 v4, v39;
	v43 =	vand.u32 $0xFFFFFF80, v41  }
0xb4: {  	v44 =	vshll.u32 v19, $0x3;
	v42 =	vadd.s32 v4, v42;
	v41 =	vand.u32 $0x7F, v41;
	v36 =	vld.idx.msk [tilespmem:v36+s2+$0x0], $0xffff  }
0xb5: {  	v45 =	vshra.s32 v26, $0xA;
	v26 =	vshll.u32 v26, $0x3;
	v43 =	vadd.s32 v4, v43;
	v38 =	vld.idx.msk [tilespmem:v38+s2+$0x0], $0xffff  }
0xb6: {  	v15 =	vor.u32 v15, v23;
	v8 =	vand.u32 $0x7F, v8;
	v46 =	vand.u32 $0xFFFFFF80, v45;
	v33 =	vld.idx.msk [tilespmem:v33+s2+$0x0], $0xffff  }
0xb7: {  	v12 =	vadd.s32 v4, v12;
	v8 =	vor.u32 v37, v8;
	v23 =	vld.idx.msk [tilespmem:v28+s2+$0x0], $0xffff;
	v28 =	vadd.s32 v4, v46  }
0xb8: {  	v37 =	vand.u32 $0x7F, v45;
	v9 =	vor.u32 v9, v12;
	v8 =	vor.u32 v4, v8;
	v35 =	vld.idx.msk [tilespmem:v35+s2+$0x0], $0xffff  }
0xb9: {  	v28 =	vor.u32 v37, v28;
	v37 =	vshll.u32 v20, $0x3;
	v12 =	vld.idx.msk [tilespmem:v30+s2+$0x0], $0xffff;
	v30 =	vor.u32 v41, v43  }
0xba: {  	v34 =	vadd.s32 v4, v34;
	v20 =	vand.u32 $0x7F, v20;
	v37 =	vand.u32 $0x1C00, v37;
	v21 =	vld.idx.msk [tilespmem:v21+s2+$0x0], $0xffff  }
0xbb: {  	v22 =	vor.u32 v24, v22;
	v24 =	vand.u32 $0x1C00, v26;
	v20 =	vor.u32 v37, v20;
	v15 =	vld.idx.msk [tilespmem:v15+s2+$0x0], $0xffff  }
0xbc: {  	v29 =	vand.u32 $0x7F, v29;
	v22 =	vor.u32 v4, v22;
	v26 =	vld.idx.msk [tilespmem:v31+s2+$0x0], $0xffff;
	v31 =	vor.u32 v32, v39  }
0xbd: {  	v27 =	vand.u32 $0x7F, v27;
	v19 =	vand.u32 $0x7F, v19;
	v32 =	vand.u32 $0x1C00, v44;
	v9 =	vld.idx.msk [tilespmem:v9+s2+$0x0], $0xffff  }
0xbe: {  	v18 =	vand.u32 $0x1C00, v18;
	v27 =	vor.u32 v27, v42;
	v19 =	vor.u32 v32, v19;
	v37 =	vld.idx.msk [tilespmem:v40+s2+$0x0], $0xffff  }
0xbf: {  	v16 =	vor.u32 v18, v16;
	v20 =	vor.u32 v4, v20;
	v19 =	vor.u32 v4, v19;
	v28 =	vld.idx.msk [tilespmem:v28+s2+$0x0], $0xffff  }
0xc0: {  	v24 =	vor.u32 v24, v25;
	v16 =	vor.u32 v4, v16;
	v25 =	vshll.u32 v17, $0x3;
	v18 =	vld.idx.msk [tilespmem:v30+s2+$0x0], $0xffff  }
0xc1: {  	v29 =	vor.u32 v29, v34;
	v17 =	vand.u32 $0x7F, v17;
	v25 =	vand.u32 $0x1C00, v25;
	v30 =	vld.idx.msk [tilespmem:v31+s2+$0x0], $0xffff  }
0xc2: {  	v14 =	vor.u32 v4, v14;
	v24 =	vor.u32 v4, v24;
	v17 =	vor.u32 v25, v17  }
0xc3: {  	v7 =	vor.u32 v4, v7;
	v17 =	vor.u32 v4, v17;
	v25 =	vld.idx.msk [tilespmem:v27+s2+$0x0], $0xffff;
	v27 =	vshll.u32 v6, $0x3  }
0xc4: {  	v31 =	vshll.u32 v3, $0x3;
	v6 =	vand.u32 $0x7F, v6;
	v27 =	vand.u32 $0x1C00, v27  }
0xc5: {  	v6 =	vor.u32 v27, v6;
	v27 =	vand.u32 $0x1C00, v31;
	v31 =	vshll.u32 v5, $0x3  }
0xc6: {  	v2 =	vand.u32 $0x1C00, v2;
	v29 =	vld.idx.msk [tilespmem:v29+s2+$0x0], $0xffff;
	v6 =	vor.u32 v4, v6;
	v31 =	vand.u32 $0x1C00, v31  }
0xc7: {  	[tilespmem:v11+s11+$0x0] =	vst.idx.add.f32.msk $0xffff, v21  }
0xc8: {  	[tilespmem:v10+s11+$0x0] =	vst.idx.add.f32.msk $0xffff, v12  }
0xc9: {  	[tilespmem:v7+s11+$0x0] =	vst.idx.add.f32.msk $0xffff, v33  }
0xca: {  	v3 =	vand.u32 $0x7F, v3;
	[tilespmem:v13+s11+$0x0] =	vst.idx.add.f32.msk $0xffff, v38  }
0xcb: {  	v5 =	vand.u32 $0x7F, v5;
	v3 =	vor.u32 v27, v3;
	[tilespmem:v14+s11+$0x0] =	vst.idx.add.f32.msk $0xffff, v36  }
0xcc: {  	v3 =	vor.u32 v4, v3;
	v5 =	vor.u32 v31, v5;
	[tilespmem:v8+s11+$0x0] =	vst.idx.add.f32.msk $0xffff, v35  }
0xcd: {  	v5 =	vor.u32 v4, v5;
	[tilespmem:v22+s11+$0x0] =	vst.idx.add.f32.msk $0xffff, v26  }
0xce: {  	[tilespmem:v6+s11+$0x0] =	vst.idx.add.f32.msk $0xffff, v23  }
0xcf: {  	v1 =	vand.u32 $0x7F, v1;
	[tilespmem:v24+s11+$0x0] =	vst.idx.add.f32.msk $0xffff, v28  }
0xd0: {  	v1 =	vor.u32 v2, v1;
	[tilespmem:v20+s11+$0x0] =	vst.idx.add.f32.msk $0xffff, v25  }
0xd1: {  	v1 =	vor.u32 v4, v1;
	[tilespmem:v3+s11+$0x0] =	vst.idx.add.f32.msk $0xffff, v15  }
0xd2: {  	[tilespmem:v5+s11+$0x0] =	vst.idx.add.f32.msk $0xffff, v37  }
0xd3: {  	[tilespmem:v19+s11+$0x0] =	vst.idx.add.f32.msk $0xffff, v29  }
0xd4: {  	[tilespmem:v16+s11+$0x0] =	vst.idx.add.f32.msk $0xffff, v30  }
0xd5: {  	[tilespmem:v17+s11+$0x0] =	vst.idx.add.f32.msk $0xffff, v18  }
0xd6: {  	[tilespmem:v1+s11+$0x0] =	vst.idx.add.f32.msk $0xffff, v9  }
0xd7: {  	v1 =	vld [tilespmem:s15+$0x70]  }
0xd8: {  	v4 =	vld [tilespmem:s15+$0xFFFFFC00]  }
0xd9: {  	v7 =	vld [tilespmem:s15+$0xFFFFFC10]  }
0xda: {  	v10 =	vld [tilespmem:s15+$0xFFFFFC20]  }
0xdb: {  	v2 =	vmov s17;
	v3 =	vld [tilespmem:s15+$0x20]  }
0xdc: {  	v11 =	vshll.u32 v2, $0x7;
	v5 =	vld [tilespmem:s15+$0x30];
	v6 =	vshra.s32 v1, $0xA;
	v2 =	vshll.u32 v1, $0x3  }
0xdd: {  	v13 =	vshra.s32 v4, $0xA;
	v8 =	vld [tilespmem:s15+$0xFFFFFC50];
	v9 =	vand.u32 $0x7F, v6;
	v14 =	vshll.u32 v4, $0x3  }
0xde: {  	v12 =	vand.u32 $0xFFFFFF80, v6;
	v16 =	vand.u32 $0xFFFFFF80, v13;
	v17 =	vshra.s32 v7, $0xA;
	v18 =	vld [tilespmem:s15+$0xFFFFFC30]  }
0xdf: {  	v4 =	vand.u32 $0x7F, v4;
	v13 =	vand.u32 $0x7F, v13;
	v15 =	vshll.u32 v10, $0x3  }
0xe0: {  	v19 =	vand.u32 $0xFFFFFF80, v17;
	v6 =	vld [tilespmem:s15+$0xFFFFFC70];
	v20 =	vshra.s32 v3, $0xA;
	v21 =	vand.u32 $0x1C00, v15  }
0xe1: {  	v22 =	vshra.s32 v10, $0xA;
	v10 =	vand.u32 $0x7F, v10;
	v24 =	vld [tilespmem:s15+$0xFFFFFC40];
	v15 =	vand.u32 $0x7F, v20  }
0xe2: {  	v14 =	vand.u32 $0x1C00, v14;
	v23 =	vshll.u32 v7, $0x3;
	v17 =	vand.u32 $0x7F, v17  }
0xe3: {  	v25 =	vor.u32 v14, v4;
	v14 =	vand.u32 $0x1C00, v23;
	v20 =	vand.u32 $0xFFFFFF80, v20  }
0xe4: {  	v23 =	vand.u32 $0x7F, v7;
	v27 =	vand.u32 $0x7F, v22;
	v26 =	vshra.s32 v8, $0xA  }
0xe5: {  	v22 =	vand.u32 $0xFFFFFF80, v22;
	v7 =	vor.u32 v21, v10;
	v31 =	vshra.s32 v6, $0xA  }
0xe6: {  	v4 =	vbroadcast v11, $0x0;
	v11 =	vor.u32 v14, v23;
	v10 =	vshra.s32 v24, $0xA;
	v29 =	vld [tilespmem:s15+$0xFFFFFC60]  }
0xe7: {  	v32 =	vand.u32 $0x7F, v26;
	v14 =	vand.u32 $0xFFFFFF80, v31;
	v30 =	vand.u32 $0x7F, v10  }
0xe8: {  	v23 =	vadd.s32 v4, v20;
	v33 =	vshra.s32 v18, $0xA;
	v20 =	vshll.u32 v18, $0x3  }
0xe9: {  	v16 =	vadd.s32 v4, v16;
	v35 =	vand.u32 $0x1C00, v20;
	v34 =	vand.u32 $0xFFFFFF80, v10  }
0xea: {  	v18 =	vand.u32 $0x7F, v18;
	v37 =	vand.u32 $0x7F, v33;
	v28 =	vadd.s32 v4, v14  }
0xeb: {  	v21 =	vor.u32 v13, v16;
	v38 =	vand.u32 $0xFFFFFF80, v33;
	v10 =	vshll.u32 v24, $0x3;
	v20 =	vld [tilespmem:s15+$0x10]  }
0xec: {  	v39 =	vand.u32 $0xFFFFFF80, v26;
	v13 =	vand.u32 $0x7F, v24;
	v14 =	vand.u32 $0x1C00, v10;
	v26 =	vld [tilespmem:s15+$0x0]  }
0xed: {  	v10 =	vor.u32 v4, v11;
	v14 =	vor.u32 v14, v13;
	v16 =	vshra.s32 v29, $0xA;
	v40 =	vld [tilespmem:s15+$0x50]  }
0xee: {  	v41 =	vadd.s32 v4, v19;
	v11 =	vor.u32 v4, v25;
	v13 =	vadd.s32 v4, v22;
	v19 =	vld [tilespmem:s15+$0x40]  }
0xef: {  	v22 =	vand.u32 $0x7F, v29;
	v24 =	vshll.u32 v29, $0x3;
	v25 =	vand.u32 $0x7F, v16  }
0xf0: {  	v18 =	vor.u32 v35, v18;
	v29 =	vadd.s32 v4, v34;
	v16 =	vand.u32 $0xFFFFFF80, v16  }
0xf1: {  	v33 =	vor.u32 v27, v13;
	v13 =	vor.u32 v4, v18;
	v34 =	vadd.s32 v4, v16  }
0xf2: {  	v36 =	vor.u32 v30, v29;
	v24 =	vand.u32 $0x1C00, v24;
	v16 =	vand.u32 $0x7F, v40  }
0xf3: {  	v30 =	vor.u32 v17, v41;
	v42 =	vshra.s32 v40, $0xA;
	v18 =	vshll.u32 v40, $0x3;
	v17 =	vld [tilespmem:s15+$0x60]  }
0xf4: {  	v35 =	vadd.s32 v4, v39;
	v29 =	vadd.s32 v4, v38;
	v27 =	vshra.s32 v20, $0xA  }
.Ltmp2:
0xf5: {  	v38 =	vor.u32 v37, v29;
	v37 =	vshra.s32 v5, $0xA;
	v29 =	vshra.s32 v19, $0xA;
	(pc) =	sbr.rel @p0 .LBB2_5-.Ltmp2, $4  }
0xf6: {  	v35 =	vor.u32 v32, v35;
	v43 =	vand.u32 $0xFFFFFF80, v37;
	v40 =	vand.u32 $0x7F, v31  }
0xf7: {  	v41 =	vand.u32 $0x7F, v37;
	v31 =	vor.u32 v25, v34;
	v32 =	vand.u32 $0x7F, v42  }
0xf8: {  	v37 =	vshll.u32 v8, $0x3;
	v25 =	vand.u32 $0x7F, v26;
	v39 =	vand.u32 $0xFFFFFF80, v42  }
0xf9: {  	v37 =	vand.u32 $0x1C00, v37;
	v42 =	vadd.s32 v4, v43;
	v34 =	vand.u32 $0xFFFFFF80, v29  }
0xfa: {  	_ =	sdelay $0x3  }
0xfb: {  	v36 =	vld.idx.msk [tilespmem:v36+s2+$0x0], $0xffff  }
0xfc: {  	v28 =	vor.u32 v40, v28;
	v38 =	vld.idx.msk [tilespmem:v38+s2+$0x0], $0xffff  }
0xfd: {  	v52 =	vor.u32 v41, v42;
	v53 =	vshra.s32 v17, $0xA;
	v33 =	vld.idx.msk [tilespmem:v33+s2+$0x0], $0xffff;
	v15 =	vor.u32 v15, v23  }
0xfe: {  	v23 =	vand.u32 $0xFFFFFF80, v27;
	v54 =	vshra.s32 v26, $0xA;
	v12 =	vadd.s32 v4, v12;
	v35 =	vld.idx.msk [tilespmem:v35+s2+$0x0], $0xffff  }
0xff: {  	v39 =	vadd.s32 v4, v39;
	v30 =	vld.idx.msk [tilespmem:v30+s2+$0x0], $0xffff;
	v55 =	vshll.u32 v19, $0x3;
	v8 =	vand.u32 $0x7F, v8  }
0x100: {  	v21 =	vld.idx.msk [tilespmem:v21+s2+$0x0], $0xffff;
	v27 =	vand.u32 $0x7F, v27;
	v34 =	vadd.s32 v4, v34;
	v9 =	vor.u32 v9, v12  }
0x101: {  	v31 =	vld.idx.msk [tilespmem:v31+s2+$0x0], $0xffff;
	v29 =	vand.u32 $0x7F, v29;
	v43 =	vand.u32 $0xFFFFFF80, v54;
	v32 =	vor.u32 v32, v39  }
0x102: {  	v12 =	vand.u32 $0xFFFFFF80, v53;
	v23 =	vadd.s32 v4, v23;
	v29 =	vor.u32 v29, v34;
	v28 =	vld.idx.msk [tilespmem:v28+s2+$0x0], $0xffff  }
0x103: {  	v42 =	vand.u32 $0x7F, v54;
	v43 =	vadd.s32 v4, v43;
	v23 =	vor.u32 v27, v23;
	v15 =	vld.idx.msk [tilespmem:v15+s2+$0x0], $0xffff  }
0x104: {  	v41 =	vand.u32 $0x7F, v53;
	v12 =	vadd.s32 v4, v12;
	v42 =	vor.u32 v42, v43;
	v27 =	vld.idx.msk [tilespmem:v52+s2+$0x0], $0xffff  }
0x105: {  	v26 =	vshll.u32 v26, $0x3;
	v56 =	vshll.u32 v20, $0x3;
	v12 =	vor.u32 v41, v12;
	v9 =	vld.idx.msk [tilespmem:v9+s2+$0x0], $0xffff  }
0x106: {  	v20 =	vand.u32 $0x7F, v20;
	v22 =	vor.u32 v24, v22;
	v19 =	vand.u32 $0x7F, v19;
	v32 =	vld.idx.msk [tilespmem:v32+s2+$0x0], $0xffff  }
0x107: {  	v7 =	vor.u32 v4, v7;
	v14 =	vor.u32 v4, v14;
	v8 =	vor.u32 v37, v8;
	v29 =	vld.idx.msk [tilespmem:v29+s2+$0x0], $0xffff  }
0x108: {  	v34 =	vand.u32 $0x1C00, v56;
	v24 =	vand.u32 $0x1C00, v26;
	v26 =	vand.u32 $0x1C00, v55;
	v23 =	vld.idx.msk [tilespmem:v23+s2+$0x0], $0xffff  }
0x109: {  	v22 =	vor.u32 v4, v22;
	v8 =	vor.u32 v4, v8;
	v20 =	vor.u32 v34, v20;
	v57 =	vld.idx.msk [tilespmem:v42+s2+$0x0], $0xffff  }
0x10a: {  	v19 =	vor.u32 v26, v19;
	v26 =	vshll.u32 v6, $0x3;
	v6 =	vand.u32 $0x7F, v6;
	v12 =	vld.idx.msk [tilespmem:v12+s2+$0x0], $0xffff  }
0x10b: {  	v20 =	vor.u32 v4, v20;
	v19 =	vor.u32 v4, v19;
	v26 =	vand.u32 $0x1C00, v26;
	[tilespmem:v11+s11+$0x0] =	vst.idx.add.f32.msk $0xffff, v21  }
0x10c: {  	v6 =	vor.u32 v26, v6;
	v11 =	vor.u32 v24, v25;
	[tilespmem:v10+s11+$0x0] =	vst.idx.add.f32.msk $0xffff, v30  }
0x10d: {  	v6 =	vor.u32 v4, v6;
	v10 =	vor.u32 v4, v11;
	v11 =	vshll.u32 v3, $0x3;
	[tilespmem:v7+s11+$0x0] =	vst.idx.add.f32.msk $0xffff, v33  }
0x10e: {  	v3 =	vand.u32 $0x7F, v3;
	v7 =	vand.u32 $0x1C00, v11;
	v11 =	vshll.u32 v5, $0x3;
	[tilespmem:v13+s11+$0x0] =	vst.idx.add.f32.msk $0xffff, v38  }
0x10f: {  	v5 =	vand.u32 $0x7F, v5;
	v11 =	vand.u32 $0x1C00, v11;
	v3 =	vor.u32 v7, v3;
	[tilespmem:v14+s11+$0x0] =	vst.idx.add.f32.msk $0xffff, v36  }
0x110: {  	v2 =	vand.u32 $0x1C00, v2;
	v3 =	vor.u32 v4, v3;
	v5 =	vor.u32 v11, v5;
	[tilespmem:v8+s11+$0x0] =	vst.idx.add.f32.msk $0xffff, v35  }
0x111: {  	v7 =	vand.u32 $0x1C00, v18;
	v8 =	vshll.u32 v17, $0x3;
	v5 =	vor.u32 v4, v5;
	[tilespmem:v22+s11+$0x0] =	vst.idx.add.f32.msk $0xffff, v31  }
0x112: {  	v7 =	vor.u32 v7, v16;
	v11 =	vand.u32 $0x7F, v17;
	v8 =	vand.u32 $0x1C00, v8;
	[tilespmem:v6+s11+$0x0] =	vst.idx.add.f32.msk $0xffff, v28  }
0x113: {  	v1 =	vand.u32 $0x7F, v1;
	v7 =	vor.u32 v4, v7;
	v6 =	vor.u32 v8, v11;
	[tilespmem:v10+s11+$0x0] =	vst.idx.add.f32.msk $0xffff, v57  }
0x114: {  	v1 =	vor.u32 v2, v1;
	v6 =	vor.u32 v4, v6;
	[tilespmem:v20+s11+$0x0] =	vst.idx.add.f32.msk $0xffff, v23  }
0x115: {  	v1 =	vor.u32 v4, v1;
	[tilespmem:v3+s11+$0x0] =	vst.idx.add.f32.msk $0xffff, v15  }
0x116: {  	[tilespmem:v5+s11+$0x0] =	vst.idx.add.f32.msk $0xffff, v27  }
0x117: {  	[tilespmem:v19+s11+$0x0] =	vst.idx.add.f32.msk $0xffff, v29  }
0x118: {  	[tilespmem:v7+s11+$0x0] =	vst.idx.add.f32.msk $0xffff, v32  }
0x119: {  	[tilespmem:v6+s11+$0x0] =	vst.idx.add.f32.msk $0xffff, v12  }
0x11a: {  	s15 =	simm.s32 $0x0;
	[tilespmem:v1+s11+$0x0] =	vst.idx.add.f32.msk $0xffff, v9  }
0x11b: {  	[hbm4b:s3+s15] =	stream.linear.scatter [tilespmem:s11], [sflag:$0x1], $0x1400, $0x38;
	[tilespmem:$0x6000] =	vst v63  }
0x11c: {  	s15 =	simm.s32 $0x800  }
0x11d: {  	s16 =	sand.u32 $0x3FFFF800, s15  }
0x11e: {  	s18 =	sadd.s32 $0x0, s16  }
0x11f: {  	v1 =	vld [tilespmem:s18+$0xC10]  }
0x120: {  	v4 =	vld [tilespmem:s18+$0xC20]  }
0x121: {  	v14 =	vld [tilespmem:s18+$0xC00]  }
0x122: {  	v2 =	vld [tilespmem:s18+$0xC30]  }
0x123: {  	v12 =	vld [tilespmem:s18+$0xC70]  }
0x124: {  	v7 =	vld [tilespmem:s18+$0xC60]  }
0x125: {  	v5 =	vld [tilespmem:s18+$0x1020]  }
0x126: {  	s16 =	simm.s32 $0x8;
	v29 =	vld [tilespmem:s18+$0xC50]  }
0x127: {  	v3 =	vmov s16;
	v37 =	vld [tilespmem:s18+$0x1010]  }
0x128: {  	v32 =	vld [tilespmem:s18+$0x1050];
	v8 =	vshll.u32 v3, $0x7;
	v13 =	vand.u32 $0x7F, v1  }
0x129: {  	v35 =	vld [tilespmem:s18+$0x1040];
	v6 =	vshll.u32 v1, $0x3;
	v15 =	vshra.s32 v1, $0xA;
	v18 =	vshra.s32 v4, $0xA  }
0x12a: {  	v27 =	vld [tilespmem:s18+$0x1000];
	v1 =	vshrl.u32 v3, $0x3;
	v20 =	vshra.s32 v14, $0xA;
	v3 =	vshra.s32 v2, $0xA  }
0x12b: {  	v9 =	vand.u32 $0x7F, v2;
	v17 =	vshra.s32 v7, $0xA;
	v25 =	vshra.s32 v12, $0xA  }
0x12c: {  	v31 =	vshll.u32 v14, $0x3;
	v58 =	vand.u32 $0x7F, v14;
	v30 =	vshra.s32 v29, $0xA  }
0x12d: {  	v38 =	vshra.s32 v37, $0xA;
	v36 =	vand.u32 $0x7F, v37;
	v40 =	vshll.u32 v37, $0x3  }
0x12e: {  	v39 =	vshra.s32 v5, $0xA;
	v41 =	vshra.s32 v32, $0xA;
	v37 =	vshra.s32 v35, $0xA  }
0x12f: {  	v44 =	vand.u32 $0x7F, v27;
	v10 =	vand.u32 $0xFFFFFF80, v15;
	v1 =	vmul.u32 $0x1400, v1  }
0x130: {  	v11 =	vand.u32 $0xFFFFFF80, v3;
	v19 =	vand.u32 $0x7F, v3;
	v3 =	vand.u32 $0x7F, v12  }
0x131: {  	v21 =	vand.u32 $0x1C00, v6;
	v6 =	vand.u32 $0x7F, v7;
	v16 =	vand.u32 $0xFFFFFF80, v17  }
0x132: {  	v17 =	vand.u32 $0x7F, v17;
	v24 =	vand.u32 $0x7F, v15;
	v15 =	vshll.u32 v2, $0x3  }
0x133: {  	v28 =	vand.u32 $0x7F, v20;
	v26 =	vand.u32 $0xFFFFFF80, v25;
	v25 =	vand.u32 $0x7F, v25  }
0x134: {  	v14 =	vand.u32 $0x7F, v18;
	v59 =	vand.u32 $0xFFFFFF80, v30;
	v22 =	vadd.s32 v8, v10;
	v10 =	vld [tilespmem:s18+$0xC40]  }
0x135: {  	v60 =	vand.u32 $0x7F, v30;
	v20 =	vand.u32 $0xFFFFFF80, v20;
	v33 =	vadd.s32 v8, v59  }
0x136: {  	v62 =	vadd.s32 v8, v20;
	v23 =	vadd.s32 v1, v21;
	v21 =	vadd.s32 v8, v11  }
0x137: {  	v11 =	vshll.u32 v7, $0x3;
	v7 =	vand.u32 $0x7F, v5;
	v22 =	vor.u32 v24, v22  }
0x138: {  	v2 =	vld [tilespmem:s18+$0x1030];
	v24 =	vshra.s32 v27, $0xA;
	v21 =	vor.u32 v19, v21;
	v19 =	vand.u32 $0xFFFFFF80, v18  }
0x139: {  	v13 =	vor.u32 v13, v23;
	v19 =	vadd.s32 v8, v19;
	v23 =	vshra.s32 v10, $0xA  }
0x13a: {  	v61 =	vand.u32 $0x7F, v24;
	v19 =	vor.u32 v14, v19;
	v18 =	vand.u32 $0xFFFFFF80, v23  }
0x13b: {  	v23 =	vand.u32 $0x7F, v23;
	v14 =	vadd.s32 v8, v18;
	v18 =	vshll.u32 v10, $0x3  }
0x13c: {  	v23 =	vor.u32 v23, v14;
	v14 =	vadd.s32 v8, v26;
	v18 =	vand.u32 $0x1C00, v18  }
0x13d: {  	v26 =	vor.u32 v25, v14;
	v14 =	vand.u32 $0xFFFFFF80, v24;
	v25 =	vshra.s32 v2, $0xA  }
0x13e: {  	v24 =	vor.u32 v60, v33;
	v14 =	vadd.s32 v8, v14;
	v30 =	vand.u32 $0x7F, v25  }
0x13f: {  	v25 =	vand.u32 $0xFFFFFF80, v25;
	v33 =	vor.u32 v61, v14;
	v14 =	vand.u32 $0x1C00, v31  }
0x140: {  	v34 =	vadd.s32 v8, v25;
	v20 =	vadd.s32 v1, v14;
	v14 =	vshll.u32 v29, $0x3  }
0x141: {  	v31 =	vand.u32 $0x7F, v32;
	v25 =	vshll.u32 v27, $0x3;
	v14 =	vand.u32 $0x1C00, v14  }
0x142: {  	v29 =	vand.u32 $0x7F, v29;
	v25 =	vand.u32 $0x1C00, v25;
	v45 =	vadd.s32 v1, v14;
	v14 =	vld [tilespmem:s18+$0x1070]  }
0x143: {  	v27 =	vor.u32 v58, v20;
	v63 =	vadd.s32 v1, v25;
	v20 =	vor.u32 v29, v45  }
0x144: {  	s17 =	simm.s32 $0x200;
	v25 =	vld [tilespmem:s18+$0x1060];
	v29 =	vor.u32 v28, v62;
	v28 =	vadd.s32 v1, v18;
	v18 =	vor.u32 v44, v63  }
.LBB2_7:
0x145: {  	p0 =	sne.s32 s17, $0xE00;
	v42 =	vand.u32 $0xFFFFFF80, v38;
	v38 =	vand.u32 $0x7F, v38;
	v43 =	vand.u32 $0xFFFFFF80, v39;
	s16 =	sadd.s32 $0x1, s16;
	s15 =	sadd.s32 $0x100, s15  }
0x146: {  	v40 =	vand.u32 $0x1C00, v40;
	s18 =	smov.u32 s17;
	s17 =	sadd.s32 $0x200, s17;
	v42 =	vadd.s32 v8, v42;
	v43 =	vadd.s32 v8, v43  }
0x147: {  	v44 =	vand.u32 $0xFFFFFF80, v41;
	v41 =	vand.u32 $0x7F, v41;
	v45 =	vshra.s32 v14, $0xA  }
0x148: {  	v39 =	vand.u32 $0x7F, v39;
	v47 =	vshll.u32 v35, $0x3;
	v46 =	vand.u32 $0xFFFFFF80, v45  }
0x149: {  	v32 =	vshll.u32 v32, $0x3;
	v47 =	vand.u32 $0x1C00, v47;
	v46 =	vadd.s32 v8, v46  }
0x14a: {  	v35 =	vand.u32 $0x7F, v35;
	v44 =	vadd.s32 v8, v44;
	v47 =	vadd.s32 v1, v47  }
0x14b: {  	v48 =	vand.u32 $0x7F, v37;
	v40 =	vadd.s32 v1, v40;
	v35 =	vor.u32 v35, v47  }
0x14c: {  	v39 =	vor.u32 v39, v43;
	v41 =	vor.u32 v41, v44;
	v36 =	vor.u32 v36, v40  }
0x14d: {  	v30 =	vor.u32 v30, v34;
	v32 =	vand.u32 $0x1C00, v32;
	v38 =	vor.u32 v38, v42  }
0x14e: {  	v16 =	vadd.s32 v8, v16;
	v34 =	vand.u32 $0xFFFFFF80, v37;
	v12 =	vshll.u32 v12, $0x3;
	v21 =	vld.idx.msk [tilespmem:v21+s2+$0x0], $0xffff  }
0x14f: {  	v16 =	vor.u32 v17, v16;
	v32 =	vadd.s32 v1, v32;
	v17 =	vld.idx.msk [tilespmem:v33+s2+$0x0], $0xffff;
	v33 =	vadd.s32 v8, v34  }
0x150: {  	v31 =	vor.u32 v31, v32;
	v32 =	vshll.u32 v25, $0x3;
	v26 =	vld.idx.msk [tilespmem:v26+s2+$0x0], $0xffff;
	v33 =	vor.u32 v48, v33  }
0x151: {  	v37 =	vand.u32 $0x7F, v45;
	v32 =	vand.u32 $0x1C00, v32;
	v34 =	vshra.s32 v25, $0xA;
	v22 =	vld.idx.msk [tilespmem:v22+s2+$0x0], $0xffff  }
0x152: {  	v32 =	vadd.s32 v1, v32;
	v25 =	vand.u32 $0x7F, v25;
	v40 =	vand.u32 $0xFFFFFF80, v34;
	v23 =	vld.idx.msk [tilespmem:v23+s2+$0x0], $0xffff  }
0x153: {  	v15 =	vand.u32 $0x1C00, v15;
	v25 =	vor.u32 v25, v32;
	v40 =	vadd.s32 v8, v40;
	v19 =	vld.idx.msk [tilespmem:v19+s2+$0x0], $0xffff  }
0x154: {  	v15 =	vadd.s32 v1, v15;
	v32 =	vand.u32 $0x7F, v34;
	v34 =	vor.u32 v37, v46;
	v16 =	vld.idx.msk [tilespmem:v16+s2+$0x0], $0xffff  }
0x155: {  	v10 =	vand.u32 $0x7F, v10;
	v9 =	vor.u32 v9, v15;
	v32 =	vor.u32 v32, v40;
	v24 =	vld.idx.msk [tilespmem:v24+s2+$0x0], $0xffff  }
0x156: {  	v10 =	vor.u32 v10, v28;
	v8 =	vand.u32 $0x380, v8;
	v15 =	vld.idx.msk [tilespmem:v30+s2+$0x0], $0xffff;
	v30 =	vand.u32 $0x7F, v4  }
0x157: {  	v27 =	vor.u32 v8, v27;
	v13 =	vor.u32 v8, v13;
	v4 =	vshll.u32 v4, $0x3;
	v28 =	vld.idx.msk [tilespmem:v29+s2+$0x0], $0xffff  }
0x158: {  	v11 =	vand.u32 $0x1C00, v11;
	v5 =	vshll.u32 v5, $0x3;
	v4 =	vand.u32 $0x1C00, v4;
	v29 =	vld.idx.msk [tilespmem:v38+s2+$0x0], $0xffff  }
0x159: {  	v11 =	vadd.s32 v1, v11;
	v5 =	vand.u32 $0x1C00, v5;
	v4 =	vadd.s32 v1, v4;
	v37 =	vld.idx.msk [tilespmem:v39+s2+$0x0], $0xffff  }
0x15a: {  	v6 =	vor.u32 v6, v11;
	v5 =	vadd.s32 v1, v5;
	v4 =	vor.u32 v30, v4;
	v38 =	vld.idx.msk [tilespmem:v41+s2+$0x0], $0xffff  }
0x15b: {  	v12 =	vand.u32 $0x1C00, v12;
	v5 =	vor.u32 v7, v5;
	v4 =	vor.u32 v8, v4;
	v11 =	vld.idx.msk [tilespmem:v33+s2+$0x0], $0xffff  }
0x15c: {  	v12 =	vadd.s32 v1, v12;
	v9 =	vor.u32 v8, v9;
	v30 =	vshll.u32 v2, $0x3;
	v7 =	vld.idx.msk [tilespmem:v34+s2+$0x0], $0xffff  }
0x15d: {  	v3 =	vor.u32 v3, v12;
	v10 =	vor.u32 v8, v10;
	v12 =	vand.u32 $0x1C00, v30;
	v32 =	vld.idx.msk [tilespmem:v32+s2+$0x0], $0xffff  }
0x15e: {  	v20 =	vor.u32 v8, v20;
	v3 =	vor.u32 v8, v3;
	[tilespmem:v27+s11+$0x0] =	vst.idx.add.f32.msk $0xffff, v28;
	v27 =	vshll.u32 v14, $0x3  }
0x15f: {  	v6 =	vor.u32 v8, v6;
	v12 =	vadd.s32 v1, v12;
	[tilespmem:v13+s11+$0x0] =	vst.idx.add.f32.msk $0xffff, v22;
	v13 =	vand.u32 $0x1C00, v27  }
0x160: {  	[tilespmem:v4+s11+$0x0] =	vst.idx.add.f32.msk $0xffff, v19;
	v4 =	vand.u32 $0x7F, v14;
	v1 =	vadd.s32 v1, v13  }
0x161: {  	[tilespmem:v9+s11+$0x0] =	vst.idx.add.f32.msk $0xffff, v21;
	v9 =	vor.u32 v8, v18;
	v1 =	vor.u32 v4, v1  }
0x162: {  	v2 =	vand.u32 $0x7F, v2;
	v4 =	vor.u32 v8, v36;
	[tilespmem:v10+s11+$0x0] =	vst.idx.add.f32.msk $0xffff, v23  }
0x163: {  	v5 =	vor.u32 v8, v5;
	v2 =	vor.u32 v2, v12;
	[tilespmem:v20+s11+$0x0] =	vst.idx.add.f32.msk $0xffff, v24  }
0x164: {  	v2 =	vor.u32 v8, v2;
	[tilespmem:v6+s11+$0x0] =	vst.idx.add.f32.msk $0xffff, v16  }
0x165: {  	[tilespmem:v3+s11+$0x0] =	vst.idx.add.f32.msk $0xffff, v26;
	v3 =	vor.u32 v8, v35  }
0x166: {  	v6 =	vor.u32 v8, v31;
	[tilespmem:v9+s11+$0x0] =	vst.idx.add.f32.msk $0xffff, v17  }
0x167: {  	[tilespmem:v4+s11+$0x0] =	vst.idx.add.f32.msk $0xffff, v29;
	v4 =	vor.u32 v8, v25  }
0x168: {  	v1 =	vor.u32 v8, v1;
	[tilespmem:v5+s11+$0x0] =	vst.idx.add.f32.msk $0xffff, v37  }
0x169: {  	[tilespmem:v2+s11+$0x0] =	vst.idx.add.f32.msk $0xffff, v15  }
0x16a: {  	[tilespmem:v3+s11+$0x0] =	vst.idx.add.f32.msk $0xffff, v11  }
0x16b: {  	[tilespmem:v6+s11+$0x0] =	vst.idx.add.f32.msk $0xffff, v38  }
0x16c: {  	s19 =	sand.u32 $0x3FFFF800, s15;
	s18 =	sshra.s32 s18, $0x2;
	[tilespmem:v4+s11+$0x0] =	vst.idx.add.f32.msk $0xffff, v32  }
0x16d: {  	s18 =	sadd.s32 s18, s19;
	[tilespmem:v1+s11+$0x0] =	vst.idx.add.f32.msk $0xffff, v7  }
0x16e: {  	v1 =	vld [tilespmem:s18+$0xC10]  }
0x16f: {  	v4 =	vld [tilespmem:s18+$0xC20]  }
0x170: {  	v14 =	vld [tilespmem:s18+$0xC00]  }
0x171: {  	v7 =	vld [tilespmem:s18+$0xC30]  }
0x172: {  	v12 =	vld [tilespmem:s18+$0xC70]  }
0x173: {  	v2 =	vmov s16;
	v11 =	vld [tilespmem:s18+$0xC60];
	v13 =	vand.u32 $0x7F, v1;
	v6 =	vshll.u32 v1, $0x3  }
0x174: {  	v15 =	vshra.s32 v1, $0xA;
	v1 =	vshrl.u32 v2, $0x3;
	v18 =	vshra.s32 v4, $0xA  }
0x175: {  	v16 =	vand.u32 $0xFFFFFF80, v15;
	v1 =	vmul.u32 $0x1400, v1;
	v20 =	vshra.s32 v14, $0xA  }
0x176: {  	v8 =	vshll.u32 v2, $0x7;
	v3 =	vshra.s32 v7, $0xA;
	v2 =	vld [tilespmem:s18+$0x1030];
	v9 =	vand.u32 $0x7F, v7  }
0x177: {  	v17 =	vand.u32 $0xFFFFFF80, v3;
	v19 =	vand.u32 $0x7F, v3;
	v5 =	vld [tilespmem:s18+$0x1020];
	v3 =	vand.u32 $0x7F, v12  }
0x178: {  	v22 =	vand.u32 $0x1C00, v6;
	v10 =	vld [tilespmem:s18+$0xC40];
	v21 =	vshra.s32 v11, $0xA;
	v6 =	vand.u32 $0x7F, v11  }
0x179: {  	v23 =	vadd.s32 v8, v16;
	v22 =	vadd.s32 v1, v22;
	v16 =	vand.u32 $0xFFFFFF80, v21;
	v25 =	vld [tilespmem:s18+$0x1010]  }
0x17a: {  	v24 =	vadd.s32 v8, v17;
	v11 =	vshll.u32 v11, $0x3;
	v17 =	vand.u32 $0x7F, v21;
	v27 =	vld [tilespmem:s18+$0x1000]  }
0x17b: {  	v26 =	vand.u32 $0x7F, v15;
	v15 =	vshll.u32 v7, $0x3;
	v21 =	vor.u32 v19, v24;
	v28 =	vld [tilespmem:s18+$0xC50]  }
0x17c: {  	v19 =	vand.u32 $0xFFFFFF80, v18;
	v24 =	vshra.s32 v12, $0xA;
	v7 =	vand.u32 $0x7F, v5  }
0x17d: {  	v29 =	vand.u32 $0x7F, v20;
	v13 =	vor.u32 v13, v22;
	v30 =	vand.u32 $0xFFFFFF80, v24  }
0x17e: {  	v31 =	vshll.u32 v14, $0x3;
	v19 =	vadd.s32 v8, v19;
	v24 =	vand.u32 $0x7F, v24  }
0x17f: {  	v42 =	vand.u32 $0x7F, v14;
	v22 =	vor.u32 v26, v23;
	v23 =	vshra.s32 v10, $0xA  }
0x180: {  	v14 =	vand.u32 $0x7F, v18;
	v18 =	vand.u32 $0xFFFFFF80, v23;
	v23 =	vand.u32 $0x7F, v23  }
0x181: {  	v19 =	vor.u32 v14, v19;
	v14 =	vadd.s32 v8, v18;
	v18 =	vshll.u32 v10, $0x3;
	v32 =	vld [tilespmem:s18+$0x1050]  }
0x182: {  	v33 =	vshra.s32 v27, $0xA;
	v23 =	vor.u32 v23, v14;
	v14 =	vadd.s32 v8, v30  }
0x183: {  	v30 =	vshra.s32 v28, $0xA;
	v26 =	vor.u32 v24, v14;
	v14 =	vand.u32 $0xFFFFFF80, v33;
	v35 =	vld [tilespmem:s18+$0x1040]  }
0x184: {  	v38 =	vshra.s32 v25, $0xA;
	v24 =	vshra.s32 v2, $0xA;
	v14 =	vadd.s32 v8, v14  }
0x185: {  	v34 =	vand.u32 $0xFFFFFF80, v30;
	v36 =	vand.u32 $0x7F, v30;
	v30 =	vand.u32 $0x7F, v24  }
0x186: {  	v33 =	vand.u32 $0x7F, v33;
	v34 =	vadd.s32 v8, v34;
	v37 =	vand.u32 $0xFFFFFF80, v24  }
0x187: {  	v24 =	vor.u32 v36, v34;
	v33 =	vor.u32 v33, v14;
	v34 =	vadd.s32 v8, v37  }
0x188: {  	v18 =	vand.u32 $0x1C00, v18;
	v14 =	vand.u32 $0x1C00, v31;
	v36 =	vand.u32 $0x7F, v25  }
0x189: {  	v20 =	vand.u32 $0xFFFFFF80, v20;
	v40 =	vshll.u32 v25, $0x3;
	v31 =	vand.u32 $0x7F, v32  }
0x18a: {  	v43 =	vadd.s32 v8, v20;
	v39 =	vshra.s32 v5, $0xA;
	v20 =	vadd.s32 v1, v14  }
.Ltmp3:
0x18b: {  	v45 =	vshll.u32 v27, $0x3;
	v44 =	vshll.u32 v28, $0x3;
	v41 =	vshra.s32 v32, $0xA;
	v14 =	vld [tilespmem:s18+$0x1070];
	(pc) =	sbr.rel @p0 .LBB2_7-.Ltmp3, $4  }
0x18c: {  	v46 =	vand.u32 $0x7F, v27;
	v44 =	vand.u32 $0x1C00, v44;
	v37 =	vshra.s32 v35, $0xA;
	v25 =	vld [tilespmem:s18+$0x1060]  }
0x18d: {  	v28 =	vand.u32 $0x7F, v28;
	v45 =	vand.u32 $0x1C00, v45;
	v44 =	vadd.s32 v1, v44  }
0x18e: {  	v27 =	vor.u32 v42, v20;
	v20 =	vor.u32 v28, v44;
	v42 =	vadd.s32 v1, v45  }
0x18f: {  	v29 =	vor.u32 v29, v43;
	v28 =	vadd.s32 v1, v18;
	v18 =	vor.u32 v46, v42  }
0x190: {  	v42 =	vand.u32 $0xFFFFFF80, v38;
	v58 =	vand.u32 $0x7F, v38  }
0x191: {  	v43 =	vand.u32 $0xFFFFFF80, v39;
	v40 =	vand.u32 $0x1C00, v40;
	v44 =	vshra.s32 v14, $0xA  }
0x192: {  	v45 =	vand.u32 $0xFFFFFF80, v41;
	v59 =	vand.u32 $0x7F, v41;
	v60 =	vand.u32 $0x7F, v39  }
0x193: {  	v47 =	vshll.u32 v35, $0x3;
	v32 =	vshll.u32 v32, $0x3;
	v61 =	vand.u32 $0x7F, v35  }
0x194: {  	v16 =	vadd.s32 v8, v16;
	v48 =	vand.u32 $0x7F, v37;
	v30 =	vor.u32 v30, v34  }
0x195: {  	v12 =	vshll.u32 v12, $0x3;
	v15 =	vand.u32 $0x1C00, v15;
	v54 =	vshll.u32 v4, $0x3  }
0x196: {  	v21 =	vld.idx.msk [tilespmem:v21+s2+$0x0], $0xffff;
	v4 =	vand.u32 $0x7F, v4;
	v10 =	vand.u32 $0x7F, v10;
	v11 =	vand.u32 $0x1C00, v11  }
0x197: {  	v26 =	vld.idx.msk [tilespmem:v26+s2+$0x0], $0xffff;
	v5 =	vshll.u32 v5, $0x3;
	v42 =	vadd.s32 v8, v42;
	v43 =	vadd.s32 v8, v43  }
0x198: {  	v22 =	vld.idx.msk [tilespmem:v22+s2+$0x0], $0xffff;
	v46 =	vand.u32 $0xFFFFFF80, v44;
	v47 =	vand.u32 $0x1C00, v47;
	v45 =	vadd.s32 v8, v45  }
0x199: {  	v23 =	vld.idx.msk [tilespmem:v23+s2+$0x0], $0xffff;
	v40 =	vadd.s32 v1, v40;
	v16 =	vor.u32 v17, v16;
	v32 =	vand.u32 $0x1C00, v32  }
0x19a: {  	v19 =	vld.idx.msk [tilespmem:v19+s2+$0x0], $0xffff;
	v51 =	vshra.s32 v25, $0xA;
	v52 =	vand.u32 $0x7F, v44;
	v15 =	vadd.s32 v1, v15  }
0x19b: {  	v24 =	vld.idx.msk [tilespmem:v24+s2+$0x0], $0xffff;
	v46 =	vadd.s32 v8, v46;
	v47 =	vadd.s32 v1, v47;
	v49 =	vor.u32 v58, v42  }
0x19c: {  	v29 =	vld.idx.msk [tilespmem:v29+s2+$0x0], $0xffff;
	v63 =	vor.u32 v60, v43;
	v45 =	vor.u32 v59, v45;
	v36 =	vor.u32 v36, v40  }
0x19d: {  	v17 =	vld.idx.msk [tilespmem:v33+s2+$0x0], $0xffff;
	v53 =	vand.u32 $0xFFFFFF80, v51;
	v38 =	vand.u32 $0x7F, v51;
	v62 =	vor.u32 v61, v47  }
0x19e: {  	v47 =	vand.u32 $0xFFFFFF80, v37;
	v41 =	vadd.s32 v8, v53;
	v40 =	vor.u32 v52, v46;
	v30 =	vld.idx.msk [tilespmem:v30+s2+$0x0], $0xffff  }
0x19f: {  	v55 =	vand.u32 $0x1C00, v54;
	v34 =	vadd.s32 v8, v47;
	v38 =	vor.u32 v38, v41;
	v16 =	vld.idx.msk [tilespmem:v16+s2+$0x0], $0xffff  }
0x1a0: {  	v10 =	vor.u32 v10, v28;
	v8 =	vand.u32 $0x380, v8;
	v34 =	vor.u32 v48, v34;
	v37 =	vld.idx.msk [tilespmem:v49+s2+$0x0], $0xffff  }
0x1a1: {  	v11 =	vadd.s32 v1, v11;
	v41 =	vadd.s32 v1, v55;
	v27 =	vor.u32 v8, v27;
	v35 =	vld.idx.msk [tilespmem:v63+s2+$0x0], $0xffff  }
0x1a2: {  	v9 =	vor.u32 v9, v15;
	v13 =	vor.u32 v8, v13;
	v4 =	vor.u32 v4, v41;
	v15 =	vld.idx.msk [tilespmem:v45+s2+$0x0], $0xffff  }
0x1a3: {  	v5 =	vand.u32 $0x1C00, v5;
	v32 =	vadd.s32 v1, v32;
	v4 =	vor.u32 v8, v4;
	v28 =	vld.idx.msk [tilespmem:v40+s2+$0x0], $0xffff  }
0x1a4: {  	v6 =	vor.u32 v6, v11;
	v11 =	vand.u32 $0x1C00, v12;
	v9 =	vor.u32 v8, v9;
	v12 =	vld.idx.msk [tilespmem:v38+s2+$0x0], $0xffff  }
0x1a5: {  	v5 =	vadd.s32 v1, v5;
	v31 =	vor.u32 v31, v32;
	v10 =	vor.u32 v8, v10;
	v34 =	vld.idx.msk [tilespmem:v34+s2+$0x0], $0xffff  }
0x1a6: {  	v11 =	vadd.s32 v1, v11;
	v20 =	vor.u32 v8, v20;
	[tilespmem:v27+s11+$0x0] =	vst.idx.add.f32.msk $0xffff, v29  }
0x1a7: {  	v50 =	vshll.u32 v25, $0x3;
	v3 =	vor.u32 v3, v11;
	v6 =	vor.u32 v8, v6;
	[tilespmem:v13+s11+$0x0] =	vst.idx.add.f32.msk $0xffff, v22  }
0x1a8: {  	v32 =	vand.u32 $0x1C00, v50;
	v11 =	vshll.u32 v2, $0x3;
	v3 =	vor.u32 v8, v3;
	[tilespmem:v4+s11+$0x0] =	vst.idx.add.f32.msk $0xffff, v19  }
0x1a9: {  	v4 =	vor.u32 v7, v5;
	v5 =	vand.u32 $0x1C00, v11;
	v7 =	vor.u32 v8, v18;
	[tilespmem:v9+s11+$0x0] =	vst.idx.add.f32.msk $0xffff, v21  }
0x1aa: {  	v2 =	vand.u32 $0x7F, v2;
	v5 =	vadd.s32 v1, v5;
	v9 =	vor.u32 v8, v36;
	[tilespmem:v10+s11+$0x0] =	vst.idx.add.f32.msk $0xffff, v23  }
0x1ab: {  	v11 =	vshll.u32 v14, $0x3;
	v4 =	vor.u32 v8, v4;
	v2 =	vor.u32 v2, v5;
	[tilespmem:v20+s11+$0x0] =	vst.idx.add.f32.msk $0xffff, v24  }
0x1ac: {  	v10 =	vand.u32 $0x7F, v25;
	v5 =	vadd.s32 v1, v32;
	v2 =	vor.u32 v8, v2;
	[tilespmem:v6+s11+$0x0] =	vst.idx.add.f32.msk $0xffff, v16  }
0x1ad: {  	v5 =	vor.u32 v10, v5;
	v6 =	vand.u32 $0x1C00, v11;
	[tilespmem:v3+s11+$0x0] =	vst.idx.add.f32.msk $0xffff, v26;
	v3 =	vor.u32 v8, v62  }
0x1ae: {  	v10 =	vand.u32 $0x7F, v14;
	v1 =	vadd.s32 v1, v6;
	v6 =	vor.u32 v8, v31;
	[tilespmem:v7+s11+$0x0] =	vst.idx.add.f32.msk $0xffff, v17  }
0x1af: {  	v5 =	vor.u32 v8, v5;
	v1 =	vor.u32 v10, v1;
	[tilespmem:v9+s11+$0x0] =	vst.idx.add.f32.msk $0xffff, v37  }
0x1b0: {  	v1 =	vor.u32 v8, v1;
	[tilespmem:v4+s11+$0x0] =	vst.idx.add.f32.msk $0xffff, v35  }
0x1b1: {  	[tilespmem:v2+s11+$0x0] =	vst.idx.add.f32.msk $0xffff, v30  }
0x1b2: {  	[tilespmem:v3+s11+$0x0] =	vst.idx.add.f32.msk $0xffff, v34  }
0x1b3: {  	[tilespmem:v6+s11+$0x0] =	vst.idx.add.f32.msk $0xffff, v15  }
0x1b4: {  	[tilespmem:v5+s11+$0x0] =	vst.idx.add.f32.msk $0xffff, v12  }
0x1b5: {  	s15 =	simm.s32 $0x0;
	[tilespmem:v1+s11+$0x0] =	vst.idx.add.f32.msk $0xffff, v28  }
0x1b6: {  	[hbm4b:s4+s15] =	stream.linear.scatter [tilespmem:s12], [sflag:$0x1], $0x1400, $0x38;
	[tilespmem:$0x6000] =	vst v63  }
0x1b7: {  	s15 =	simm.s32 $0x1000  }
0x1b8: {  	s16 =	sand.u32 $0x3FFFF800, s15  }
0x1b9: {  	s18 =	sadd.s32 $0x0, s16  }
0x1ba: {  	v1 =	vld [tilespmem:s18+$0xC10]  }
0x1bb: {  	v4 =	vld [tilespmem:s18+$0xC20]  }
0x1bc: {  	v14 =	vld [tilespmem:s18+$0xC00]  }
0x1bd: {  	v2 =	vld [tilespmem:s18+$0xC30]  }
0x1be: {  	v12 =	vld [tilespmem:s18+$0xC70]  }
0x1bf: {  	v7 =	vld [tilespmem:s18+$0xC60]  }
0x1c0: {  	v5 =	vld [tilespmem:s18+$0x1020]  }
0x1c1: {  	s16 =	simm.s32 $0x10;
	v29 =	vld [tilespmem:s18+$0xC50]  }
0x1c2: {  	v3 =	vmov s16;
	v37 =	vld [tilespmem:s18+$0x1010]  }
0x1c3: {  	v32 =	vld [tilespmem:s18+$0x1050];
	v8 =	vshll.u32 v3, $0x7;
	v13 =	vand.u32 $0x7F, v1  }
0x1c4: {  	v35 =	vld [tilespmem:s18+$0x1040];
	v6 =	vshll.u32 v1, $0x3;
	v15 =	vshra.s32 v1, $0xA;
	v18 =	vshra.s32 v4, $0xA  }
0x1c5: {  	v27 =	vld [tilespmem:s18+$0x1000];
	v1 =	vshrl.u32 v3, $0x3;
	v20 =	vshra.s32 v14, $0xA;
	v3 =	vshra.s32 v2, $0xA  }
0x1c6: {  	v9 =	vand.u32 $0x7F, v2;
	v17 =	vshra.s32 v7, $0xA;
	v25 =	vshra.s32 v12, $0xA  }
0x1c7: {  	v31 =	vshll.u32 v14, $0x3;
	v56 =	vand.u32 $0x7F, v14;
	v30 =	vshra.s32 v29, $0xA  }
0x1c8: {  	v38 =	vshra.s32 v37, $0xA;
	v36 =	vand.u32 $0x7F, v37;
	v40 =	vshll.u32 v37, $0x3  }
0x1c9: {  	v39 =	vshra.s32 v5, $0xA;
	v41 =	vshra.s32 v32, $0xA;
	v37 =	vshra.s32 v35, $0xA  }
0x1ca: {  	v61 =	vand.u32 $0x7F, v27;
	v10 =	vand.u32 $0xFFFFFF80, v15;
	v1 =	vmul.u32 $0x1400, v1  }
0x1cb: {  	v11 =	vand.u32 $0xFFFFFF80, v3;
	v19 =	vand.u32 $0x7F, v3;
	v3 =	vand.u32 $0x7F, v12  }
0x1cc: {  	v21 =	vand.u32 $0x1C00, v6;
	v6 =	vand.u32 $0x7F, v7;
	v16 =	vand.u32 $0xFFFFFF80, v17  }
0x1cd: {  	v17 =	vand.u32 $0x7F, v17;
	v24 =	vand.u32 $0x7F, v15;
	v15 =	vshll.u32 v2, $0x3  }
0x1ce: {  	v28 =	vand.u32 $0x7F, v20;
	v26 =	vand.u32 $0xFFFFFF80, v25;
	v25 =	vand.u32 $0x7F, v25  }
0x1cf: {  	v14 =	vand.u32 $0x7F, v18;
	v57 =	vand.u32 $0xFFFFFF80, v30;
	v22 =	vadd.s32 v8, v10;
	v10 =	vld [tilespmem:s18+$0xC40]  }
0x1d0: {  	v58 =	vand.u32 $0x7F, v30;
	v20 =	vand.u32 $0xFFFFFF80, v20;
	v33 =	vadd.s32 v8, v57  }
0x1d1: {  	v60 =	vadd.s32 v8, v20;
	v23 =	vadd.s32 v1, v21;
	v21 =	vadd.s32 v8, v11  }
0x1d2: {  	v11 =	vshll.u32 v7, $0x3;
	v7 =	vand.u32 $0x7F, v5;
	v22 =	vor.u32 v24, v22  }
0x1d3: {  	v2 =	vld [tilespmem:s18+$0x1030];
	v24 =	vshra.s32 v27, $0xA;
	v21 =	vor.u32 v19, v21;
	v19 =	vand.u32 $0xFFFFFF80, v18  }
0x1d4: {  	v13 =	vor.u32 v13, v23;
	v19 =	vadd.s32 v8, v19;
	v23 =	vshra.s32 v10, $0xA  }
0x1d5: {  	v59 =	vand.u32 $0x7F, v24;
	v19 =	vor.u32 v14, v19;
	v18 =	vand.u32 $0xFFFFFF80, v23  }
0x1d6: {  	v23 =	vand.u32 $0x7F, v23;
	v14 =	vadd.s32 v8, v18;
	v18 =	vshll.u32 v10, $0x3  }
0x1d7: {  	v23 =	vor.u32 v23, v14;
	v14 =	vadd.s32 v8, v26;
	v18 =	vand.u32 $0x1C00, v18  }
0x1d8: {  	v26 =	vor.u32 v25, v14;
	v14 =	vand.u32 $0xFFFFFF80, v24;
	v25 =	vshra.s32 v2, $0xA  }
0x1d9: {  	v24 =	vor.u32 v58, v33;
	v14 =	vadd.s32 v8, v14;
	v30 =	vand.u32 $0x7F, v25  }
0x1da: {  	v25 =	vand.u32 $0xFFFFFF80, v25;
	v33 =	vor.u32 v59, v14;
	v14 =	vand.u32 $0x1C00, v31  }
0x1db: {  	v34 =	vadd.s32 v8, v25;
	v20 =	vadd.s32 v1, v14;
	v14 =	vshll.u32 v29, $0x3  }
0x1dc: {  	v31 =	vand.u32 $0x7F, v32;
	v25 =	vshll.u32 v27, $0x3;
	v14 =	vand.u32 $0x1C00, v14  }
0x1dd: {  	v29 =	vand.u32 $0x7F, v29;
	v25 =	vand.u32 $0x1C00, v25;
	v62 =	vadd.s32 v1, v14;
	v14 =	vld [tilespmem:s18+$0x1070]  }
0x1de: {  	v27 =	vor.u32 v56, v20;
	v63 =	vadd.s32 v1, v25;
	v20 =	vor.u32 v29, v62  }
0x1df: {  	s17 =	simm.s32 $0x200;
	v25 =	vld [tilespmem:s18+$0x1060];
	v29 =	vor.u32 v28, v60;
	v28 =	vadd.s32 v1, v18;
	v18 =	vor.u32 v61, v63  }
.LBB2_9:
0x1e0: {  	p0 =	sne.s32 s17, $0xE00;
	v42 =	vand.u32 $0xFFFFFF80, v38;
	v38 =	vand.u32 $0x7F, v38;
	v43 =	vand.u32 $0xFFFFFF80, v39;
	s16 =	sadd.s32 $0x1, s16;
	s15 =	sadd.s32 $0x100, s15  }
0x1e1: {  	v40 =	vand.u32 $0x1C00, v40;
	s18 =	smov.u32 s17;
	s17 =	sadd.s32 $0x200, s17;
	v42 =	vadd.s32 v8, v42;
	v43 =	vadd.s32 v8, v43  }
0x1e2: {  	v44 =	vand.u32 $0xFFFFFF80, v41;
	v41 =	vand.u32 $0x7F, v41;
	v45 =	vshra.s32 v14, $0xA  }
0x1e3: {  	v39 =	vand.u32 $0x7F, v39;
	v47 =	vshll.u32 v35, $0x3;
	v46 =	vand.u32 $0xFFFFFF80, v45  }
0x1e4: {  	v32 =	vshll.u32 v32, $0x3;
	v47 =	vand.u32 $0x1C00, v47;
	v46 =	vadd.s32 v8, v46  }
0x1e5: {  	v35 =	vand.u32 $0x7F, v35;
	v44 =	vadd.s32 v8, v44;
	v47 =	vadd.s32 v1, v47  }
0x1e6: {  	v48 =	vand.u32 $0x7F, v37;
	v40 =	vadd.s32 v1, v40;
	v35 =	vor.u32 v35, v47  }
0x1e7: {  	v39 =	vor.u32 v39, v43;
	v41 =	vor.u32 v41, v44;
	v36 =	vor.u32 v36, v40  }
0x1e8: {  	v30 =	vor.u32 v30, v34;
	v32 =	vand.u32 $0x1C00, v32;
	v38 =	vor.u32 v38, v42  }
0x1e9: {  	v16 =	vadd.s32 v8, v16;
	v34 =	vand.u32 $0xFFFFFF80, v37;
	v12 =	vshll.u32 v12, $0x3;
	v21 =	vld.idx.msk [tilespmem:v21+s2+$0x0], $0xffff  }
0x1ea: {  	v16 =	vor.u32 v17, v16;
	v32 =	vadd.s32 v1, v32;
	v17 =	vld.idx.msk [tilespmem:v33+s2+$0x0], $0xffff;
	v33 =	vadd.s32 v8, v34  }
0x1eb: {  	v31 =	vor.u32 v31, v32;
	v32 =	vshll.u32 v25, $0x3;
	v26 =	vld.idx.msk [tilespmem:v26+s2+$0x0], $0xffff;
	v33 =	vor.u32 v48, v33  }
0x1ec: {  	v37 =	vand.u32 $0x7F, v45;
	v32 =	vand.u32 $0x1C00, v32;
	v34 =	vshra.s32 v25, $0xA;
	v22 =	vld.idx.msk [tilespmem:v22+s2+$0x0], $0xffff  }
0x1ed: {  	v32 =	vadd.s32 v1, v32;
	v25 =	vand.u32 $0x7F, v25;
	v40 =	vand.u32 $0xFFFFFF80, v34;
	v23 =	vld.idx.msk [tilespmem:v23+s2+$0x0], $0xffff  }
0x1ee: {  	v15 =	vand.u32 $0x1C00, v15;
	v25 =	vor.u32 v25, v32;
	v40 =	vadd.s32 v8, v40;
	v19 =	vld.idx.msk [tilespmem:v19+s2+$0x0], $0xffff  }
0x1ef: {  	v15 =	vadd.s32 v1, v15;
	v32 =	vand.u32 $0x7F, v34;
	v34 =	vor.u32 v37, v46;
	v16 =	vld.idx.msk [tilespmem:v16+s2+$0x0], $0xffff  }
0x1f0: {  	v10 =	vand.u32 $0x7F, v10;
	v9 =	vor.u32 v9, v15;
	v32 =	vor.u32 v32, v40;
	v24 =	vld.idx.msk [tilespmem:v24+s2+$0x0], $0xffff  }
0x1f1: {  	v10 =	vor.u32 v10, v28;
	v8 =	vand.u32 $0x380, v8;
	v15 =	vld.idx.msk [tilespmem:v30+s2+$0x0], $0xffff;
	v30 =	vand.u32 $0x7F, v4  }
0x1f2: {  	v27 =	vor.u32 v8, v27;
	v13 =	vor.u32 v8, v13;
	v4 =	vshll.u32 v4, $0x3;
	v28 =	vld.idx.msk [tilespmem:v29+s2+$0x0], $0xffff  }
0x1f3: {  	v11 =	vand.u32 $0x1C00, v11;
	v5 =	vshll.u32 v5, $0x3;
	v4 =	vand.u32 $0x1C00, v4;
	v29 =	vld.idx.msk [tilespmem:v38+s2+$0x0], $0xffff  }
0x1f4: {  	v11 =	vadd.s32 v1, v11;
	v5 =	vand.u32 $0x1C00, v5;
	v4 =	vadd.s32 v1, v4;
	v37 =	vld.idx.msk [tilespmem:v39+s2+$0x0], $0xffff  }
0x1f5: {  	v6 =	vor.u32 v6, v11;
	v5 =	vadd.s32 v1, v5;
	v4 =	vor.u32 v30, v4;
	v38 =	vld.idx.msk [tilespmem:v41+s2+$0x0], $0xffff  }
0x1f6: {  	v12 =	vand.u32 $0x1C00, v12;
	v5 =	vor.u32 v7, v5;
	v4 =	vor.u32 v8, v4;
	v11 =	vld.idx.msk [tilespmem:v33+s2+$0x0], $0xffff  }
0x1f7: {  	v12 =	vadd.s32 v1, v12;
	v9 =	vor.u32 v8, v9;
	v30 =	vshll.u32 v2, $0x3;
	v7 =	vld.idx.msk [tilespmem:v34+s2+$0x0], $0xffff  }
0x1f8: {  	v3 =	vor.u32 v3, v12;
	v10 =	vor.u32 v8, v10;
	v12 =	vand.u32 $0x1C00, v30;
	v32 =	vld.idx.msk [tilespmem:v32+s2+$0x0], $0xffff  }
0x1f9: {  	v20 =	vor.u32 v8, v20;
	v3 =	vor.u32 v8, v3;
	[tilespmem:v27+s11+$0x0] =	vst.idx.add.f32.msk $0xffff, v28;
	v27 =	vshll.u32 v14, $0x3  }
0x1fa: {  	v6 =	vor.u32 v8, v6;
	v12 =	vadd.s32 v1, v12;
	[tilespmem:v13+s11+$0x0] =	vst.idx.add.f32.msk $0xffff, v22;
	v13 =	vand.u32 $0x1C00, v27  }
0x1fb: {  	[tilespmem:v4+s11+$0x0] =	vst.idx.add.f32.msk $0xffff, v19;
	v4 =	vand.u32 $0x7F, v14;
	v1 =	vadd.s32 v1, v13  }
0x1fc: {  	[tilespmem:v9+s11+$0x0] =	vst.idx.add.f32.msk $0xffff, v21;
	v9 =	vor.u32 v8, v18;
	v1 =	vor.u32 v4, v1  }
0x1fd: {  	v2 =	vand.u32 $0x7F, v2;
	v4 =	vor.u32 v8, v36;
	[tilespmem:v10+s11+$0x0] =	vst.idx.add.f32.msk $0xffff, v23  }
0x1fe: {  	v5 =	vor.u32 v8, v5;
	v2 =	vor.u32 v2, v12;
	[tilespmem:v20+s11+$0x0] =	vst.idx.add.f32.msk $0xffff, v24  }
0x1ff: {  	v2 =	vor.u32 v8, v2;
	[tilespmem:v6+s11+$0x0] =	vst.idx.add.f32.msk $0xffff, v16  }
0x200: {  	[tilespmem:v3+s11+$0x0] =	vst.idx.add.f32.msk $0xffff, v26;
	v3 =	vor.u32 v8, v35  }
0x201: {  	v6 =	vor.u32 v8, v31;
	[tilespmem:v9+s11+$0x0] =	vst.idx.add.f32.msk $0xffff, v17  }
0x202: {  	[tilespmem:v4+s11+$0x0] =	vst.idx.add.f32.msk $0xffff, v29;
	v4 =	vor.u32 v8, v25  }
0x203: {  	v1 =	vor.u32 v8, v1;
	[tilespmem:v5+s11+$0x0] =	vst.idx.add.f32.msk $0xffff, v37  }
0x204: {  	[tilespmem:v2+s11+$0x0] =	vst.idx.add.f32.msk $0xffff, v15  }
0x205: {  	[tilespmem:v3+s11+$0x0] =	vst.idx.add.f32.msk $0xffff, v11  }
0x206: {  	[tilespmem:v6+s11+$0x0] =	vst.idx.add.f32.msk $0xffff, v38  }
0x207: {  	s19 =	sand.u32 $0x3FFFF800, s15;
	s18 =	sshra.s32 s18, $0x2;
	[tilespmem:v4+s11+$0x0] =	vst.idx.add.f32.msk $0xffff, v32  }
0x208: {  	s18 =	sadd.s32 s18, s19;
	[tilespmem:v1+s11+$0x0] =	vst.idx.add.f32.msk $0xffff, v7  }
0x209: {  	v1 =	vld [tilespmem:s18+$0xC10]  }
0x20a: {  	v4 =	vld [tilespmem:s18+$0xC20]  }
0x20b: {  	v14 =	vld [tilespmem:s18+$0xC00]  }
0x20c: {  	v7 =	vld [tilespmem:s18+$0xC30]  }
0x20d: {  	v12 =	vld [tilespmem:s18+$0xC70]  }
0x20e: {  	v2 =	vmov s16;
	v11 =	vld [tilespmem:s18+$0xC60];
	v13 =	vand.u32 $0x7F, v1;
	v6 =	vshll.u32 v1, $0x3  }
0x20f: {  	v15 =	vshra.s32 v1, $0xA;
	v1 =	vshrl.u32 v2, $0x3;
	v18 =	vshra.s32 v4, $0xA  }
0x210: {  	v16 =	vand.u32 $0xFFFFFF80, v15;
	v1 =	vmul.u32 $0x1400, v1;
	v20 =	vshra.s32 v14, $0xA  }
0x211: {  	v8 =	vshll.u32 v2, $0x7;
	v3 =	vshra.s32 v7, $0xA;
	v2 =	vld [tilespmem:s18+$0x1030];
	v9 =	vand.u32 $0x7F, v7  }
0x212: {  	v17 =	vand.u32 $0xFFFFFF80, v3;
	v19 =	vand.u32 $0x7F, v3;
	v5 =	vld [tilespmem:s18+$0x1020];
	v3 =	vand.u32 $0x7F, v12  }
0x213: {  	v22 =	vand.u32 $0x1C00, v6;
	v10 =	vld [tilespmem:s18+$0xC40];
	v21 =	vshra.s32 v11, $0xA;
	v6 =	vand.u32 $0x7F, v11  }
0x214: {  	v23 =	vadd.s32 v8, v16;
	v22 =	vadd.s32 v1, v22;
	v16 =	vand.u32 $0xFFFFFF80, v21;
	v25 =	vld [tilespmem:s18+$0x1010]  }
0x215: {  	v24 =	vadd.s32 v8, v17;
	v11 =	vshll.u32 v11, $0x3;
	v17 =	vand.u32 $0x7F, v21;
	v27 =	vld [tilespmem:s18+$0x1000]  }
0x216: {  	v26 =	vand.u32 $0x7F, v15;
	v15 =	vshll.u32 v7, $0x3;
	v21 =	vor.u32 v19, v24;
	v28 =	vld [tilespmem:s18+$0xC50]  }
0x217: {  	v19 =	vand.u32 $0xFFFFFF80, v18;
	v24 =	vshra.s32 v12, $0xA;
	v7 =	vand.u32 $0x7F, v5  }
0x218: {  	v29 =	vand.u32 $0x7F, v20;
	v13 =	vor.u32 v13, v22;
	v30 =	vand.u32 $0xFFFFFF80, v24  }
0x219: {  	v31 =	vshll.u32 v14, $0x3;
	v19 =	vadd.s32 v8, v19;
	v24 =	vand.u32 $0x7F, v24  }
0x21a: {  	v42 =	vand.u32 $0x7F, v14;
	v22 =	vor.u32 v26, v23;
	v23 =	vshra.s32 v10, $0xA  }
0x21b: {  	v14 =	vand.u32 $0x7F, v18;
	v18 =	vand.u32 $0xFFFFFF80, v23;
	v23 =	vand.u32 $0x7F, v23  }
0x21c: {  	v19 =	vor.u32 v14, v19;
	v14 =	vadd.s32 v8, v18;
	v18 =	vshll.u32 v10, $0x3;
	v32 =	vld [tilespmem:s18+$0x1050]  }
0x21d: {  	v33 =	vshra.s32 v27, $0xA;
	v23 =	vor.u32 v23, v14;
	v14 =	vadd.s32 v8, v30  }
0x21e: {  	v30 =	vshra.s32 v28, $0xA;
	v26 =	vor.u32 v24, v14;
	v14 =	vand.u32 $0xFFFFFF80, v33;
	v35 =	vld [tilespmem:s18+$0x1040]  }
0x21f: {  	v38 =	vshra.s32 v25, $0xA;
	v24 =	vshra.s32 v2, $0xA;
	v14 =	vadd.s32 v8, v14  }
0x220: {  	v34 =	vand.u32 $0xFFFFFF80, v30;
	v36 =	vand.u32 $0x7F, v30;
	v30 =	vand.u32 $0x7F, v24  }
0x221: {  	v33 =	vand.u32 $0x7F, v33;
	v34 =	vadd.s32 v8, v34;
	v37 =	vand.u32 $0xFFFFFF80, v24  }
0x222: {  	v24 =	vor.u32 v36, v34;
	v33 =	vor.u32 v33, v14;
	v34 =	vadd.s32 v8, v37  }
0x223: {  	v18 =	vand.u32 $0x1C00, v18;
	v14 =	vand.u32 $0x1C00, v31;
	v36 =	vand.u32 $0x7F, v25  }
0x224: {  	v20 =	vand.u32 $0xFFFFFF80, v20;
	v40 =	vshll.u32 v25, $0x3;
	v31 =	vand.u32 $0x7F, v32  }
0x225: {  	v43 =	vadd.s32 v8, v20;
	v39 =	vshra.s32 v5, $0xA;
	v20 =	vadd.s32 v1, v14  }
.Ltmp4:
0x226: {  	v45 =	vshll.u32 v27, $0x3;
	v44 =	vshll.u32 v28, $0x3;
	v41 =	vshra.s32 v32, $0xA;
	v14 =	vld [tilespmem:s18+$0x1070];
	(pc) =	sbr.rel @p0 .LBB2_9-.Ltmp4, $4  }
0x227: {  	v46 =	vand.u32 $0x7F, v27;
	v44 =	vand.u32 $0x1C00, v44;
	v37 =	vshra.s32 v35, $0xA;
	v25 =	vld [tilespmem:s18+$0x1060]  }
0x228: {  	v28 =	vand.u32 $0x7F, v28;
	v45 =	vand.u32 $0x1C00, v45;
	v44 =	vadd.s32 v1, v44  }
0x229: {  	v27 =	vor.u32 v42, v20;
	v20 =	vor.u32 v28, v44;
	v42 =	vadd.s32 v1, v45  }
0x22a: {  	v29 =	vor.u32 v29, v43;
	v28 =	vadd.s32 v1, v18;
	v18 =	vor.u32 v46, v42  }
0x22b: {  	v42 =	vand.u32 $0xFFFFFF80, v38;
	v53 =	vand.u32 $0x7F, v38  }
0x22c: {  	v43 =	vand.u32 $0xFFFFFF80, v39;
	v40 =	vand.u32 $0x1C00, v40;
	v44 =	vshra.s32 v14, $0xA  }
0x22d: {  	v45 =	vand.u32 $0xFFFFFF80, v41;
	v54 =	vand.u32 $0x7F, v41;
	v55 =	vand.u32 $0x7F, v39  }
0x22e: {  	v47 =	vshll.u32 v35, $0x3;
	v32 =	vshll.u32 v32, $0x3;
	v56 =	vand.u32 $0x7F, v35  }
0x22f: {  	v16 =	vadd.s32 v8, v16;
	v48 =	vand.u32 $0x7F, v37;
	v30 =	vor.u32 v30, v34  }
0x230: {  	v59 =	vand.u32 $0xFFFFFF80, v37;
	v12 =	vshll.u32 v12, $0x3;
	v15 =	vand.u32 $0x1C00, v15  }
0x231: {  	v21 =	vld.idx.msk [tilespmem:v21+s2+$0x0], $0xffff;
	v10 =	vand.u32 $0x7F, v10;
	v11 =	vand.u32 $0x1C00, v11;
	v5 =	vshll.u32 v5, $0x3  }
0x232: {  	v26 =	vld.idx.msk [tilespmem:v26+s2+$0x0], $0xffff;
	v42 =	vadd.s32 v8, v42;
	v43 =	vadd.s32 v8, v43;
	v46 =	vand.u32 $0xFFFFFF80, v44  }
0x233: {  	v22 =	vld.idx.msk [tilespmem:v22+s2+$0x0], $0xffff;
	v47 =	vand.u32 $0x1C00, v47;
	v45 =	vadd.s32 v8, v45;
	v40 =	vadd.s32 v1, v40  }
0x234: {  	v23 =	vld.idx.msk [tilespmem:v23+s2+$0x0], $0xffff;
	v16 =	vor.u32 v17, v16;
	v32 =	vand.u32 $0x1C00, v32;
	v34 =	vadd.s32 v8, v59  }
0x235: {  	v19 =	vld.idx.msk [tilespmem:v19+s2+$0x0], $0xffff;
	v62 =	vshra.s32 v25, $0xA;
	v63 =	vand.u32 $0x7F, v44;
	v15 =	vadd.s32 v1, v15  }
0x236: {  	v24 =	vld.idx.msk [tilespmem:v24+s2+$0x0], $0xffff;
	v10 =	vor.u32 v10, v28;
	v11 =	vadd.s32 v1, v11;
	v60 =	vor.u32 v53, v42  }
0x237: {  	v29 =	vld.idx.msk [tilespmem:v29+s2+$0x0], $0xffff;
	v46 =	vadd.s32 v8, v46;
	v47 =	vadd.s32 v1, v47;
	v57 =	vor.u32 v55, v43  }
0x238: {  	v17 =	vld.idx.msk [tilespmem:v33+s2+$0x0], $0xffff;
	v58 =	vor.u32 v54, v45;
	v36 =	vor.u32 v36, v40;
	v34 =	vor.u32 v48, v34  }
0x239: {  	v44 =	vand.u32 $0xFFFFFF80, v62;
	v38 =	vand.u32 $0x7F, v62;
	v45 =	vshll.u32 v4, $0x3;
	v30 =	vld.idx.msk [tilespmem:v30+s2+$0x0], $0xffff  }
0x23a: {  	v33 =	vor.u32 v56, v47;
	v41 =	vadd.s32 v8, v44;
	v40 =	vor.u32 v63, v46;
	v16 =	vld.idx.msk [tilespmem:v16+s2+$0x0], $0xffff  }
0x23b: {  	v46 =	vand.u32 $0x380, v8;
	v47 =	vand.u32 $0x1C00, v45;
	v38 =	vor.u32 v38, v41;
	v37 =	vld.idx.msk [tilespmem:v60+s2+$0x0], $0xffff  }
0x23c: {  	v48 =	vand.u32 $0x7F, v4;
	v27 =	vor.u32 v46, v27;
	v41 =	vadd.s32 v1, v47;
	v35 =	vld.idx.msk [tilespmem:v57+s2+$0x0], $0xffff  }
0x23d: {  	v51 =	vand.u32 $0x1C00, v12;
	v13 =	vor.u32 v46, v13;
	v4 =	vor.u32 v48, v41;
	v49 =	vld.idx.msk [tilespmem:v58+s2+$0x0], $0xffff  }
0x23e: {  	v5 =	vand.u32 $0x1C00, v5;
	v9 =	vor.u32 v9, v15;
	v4 =	vor.u32 v46, v4;
	v34 =	vld.idx.msk [tilespmem:v34+s2+$0x0], $0xffff  }
0x23f: {  	v32 =	vadd.s32 v1, v32;
	v6 =	vor.u32 v6, v11;
	v9 =	vor.u32 v46, v9;
	v50 =	vld.idx.msk [tilespmem:v40+s2+$0x0], $0xffff  }
0x240: {  	v11 =	vadd.s32 v1, v51;
	v5 =	vadd.s32 v1, v5;
	v10 =	vor.u32 v46, v10;
	v52 =	vld.idx.msk [tilespmem:v38+s2+$0x0], $0xffff  }
0x241: {  	v61 =	vshll.u32 v25, $0x3;
	v31 =	vor.u32 v31, v32;
	v20 =	vor.u32 v46, v20;
	[tilespmem:v27+s11+$0x0] =	vst.idx.add.f32.msk $0xffff, v29  }
0x242: {  	v53 =	vshll.u32 v2, $0x3;
	v3 =	vor.u32 v3, v11;
	v6 =	vor.u32 v46, v6;
	[tilespmem:v13+s11+$0x0] =	vst.idx.add.f32.msk $0xffff, v22  }
0x243: {  	v54 =	vor.u32 v7, v5;
	v55 =	vand.u32 $0x1C00, v53;
	v3 =	vor.u32 v46, v3;
	[tilespmem:v4+s11+$0x0] =	vst.idx.add.f32.msk $0xffff, v19  }
0x244: {  	v32 =	vand.u32 $0x1C00, v61;
	v56 =	vor.u32 v46, v18;
	v5 =	vadd.s32 v1, v55;
	[tilespmem:v9+s11+$0x0] =	vst.idx.add.f32.msk $0xffff, v21  }
0x245: {  	v2 =	vand.u32 $0x7F, v2;
	v59 =	vadd.s32 v1, v32;
	v57 =	vor.u32 v46, v36;
	[tilespmem:v10+s11+$0x0] =	vst.idx.add.f32.msk $0xffff, v23  }
0x246: {  	v2 =	vor.u32 v2, v5;
	v4 =	vor.u32 v46, v54;
	[tilespmem:v20+s11+$0x0] =	vst.idx.add.f32.msk $0xffff, v24  }
0x247: {  	v63 =	vor.u32 v46, v31;
	v2 =	vor.u32 v46, v2;
	v60 =	vshll.u32 v14, $0x3;
	[tilespmem:v6+s11+$0x0] =	vst.idx.add.f32.msk $0xffff, v16  }
0x248: {  	v58 =	vand.u32 $0x7F, v25;
	v61 =	vand.u32 $0x1C00, v60;
	[tilespmem:v3+s11+$0x0] =	vst.idx.add.f32.msk $0xffff, v26;
	v3 =	vor.u32 v46, v33  }
0x249: {  	v62 =	vand.u32 $0x7F, v14;
	v5 =	vor.u32 v58, v59;
	v1 =	vadd.s32 v1, v61;
	[tilespmem:v56+s11+$0x0] =	vst.idx.add.f32.msk $0xffff, v17  }
0x24a: {  	v5 =	vor.u32 v46, v5;
	v1 =	vor.u32 v62, v1;
	[tilespmem:v57+s11+$0x0] =	vst.idx.add.f32.msk $0xffff, v37  }
0x24b: {  	v1 =	vor.u32 v46, v1;
	[tilespmem:v4+s11+$0x0] =	vst.idx.add.f32.msk $0xffff, v35  }
0x24c: {  	[tilespmem:v2+s11+$0x0] =	vst.idx.add.f32.msk $0xffff, v30  }
0x24d: {  	[tilespmem:v3+s11+$0x0] =	vst.idx.add.f32.msk $0xffff, v34  }
0x24e: {  	[tilespmem:v63+s11+$0x0] =	vst.idx.add.f32.msk $0xffff, v49  }
0x24f: {  	[tilespmem:v5+s11+$0x0] =	vst.idx.add.f32.msk $0xffff, v52  }
0x250: {  	[tilespmem:v1+s11+$0x0] =	vst.idx.add.f32.msk $0xffff, v50  }
0x251: {  	[hbm4b:s5+s2] =	stream.linear.scatter [tilespmem:s13], [sflag:$0x1], $0x1400, $0x38;
	[tilespmem:$0x6000] =	vst v63  }
0x252: {  	_ =	swait.ge [sflag:s10], $0x1400  }
0x253: {  	[sflag:s10] =	ssyncset.done $0x0  }
0x254: {  	s14 =	sadd.s32 $0x1, s14;
	[sflag:s10] =	ssyncadd.s32 $0xFFFFEC00  }
0x255: {  	p0 =	sne.s32 s14, s8;
	_ =	swait.ge [sflag:s10], $0x1400  }
.Ltmp5:
0x256: {  	[sflag:s10] =	ssyncset.done $0x0;
	(pc) =	sbr.rel @p0 .LBB2_2-.Ltmp5, $4  }
0x257: {  	[sflag:s10] =	ssyncadd.s32 $0xFFFFEC00  }
0x258: {  	_ =	swait.ge [sflag:s10], $0x1400  }
0x259: {  	[sflag:s10] =	ssyncset.done $0x0  }
0x25a: {  	[sflag:s10] =	ssyncadd.s32 $0xFFFFEC00  }
.LBB2_11:
0x25b: {  	_ =	sfence.sel $0x180000  }
0x25c: {  	[bflag:$0x0] =	sbarrier.arrive $0xFFFF  }
0x25d: {  	p0 =	sne.s32 s1, $0x0;
	_ =	strace $0x90000047  }
0x25e: {  	s0 =	sadd.s32 @!p0 $0x100000, s0;
	[bflag:$0x2] =	sbarrier.arrive $0xFFFF  }
0x25f: {  	[sflag:s0] =	ssyncadd.tile.s32 @!p0 $0x1;
	_ =	shalt  }
.Lfunc_end2:
_tile_overlayer_lowered:
.L_overlay_start_2:
0x260: {  	(tag) =	ssettag $0x2  }
0x261: {  	s0 =	rddreg [dreg:$0x0];
	s2 =	stileid.u32  }
0x262: {  	s1 =	rddreg [dreg:$0x1];
	p0 =	sne.s32 s2, $0x0  }
0x263: {  	s3 =	rddreg [dreg:$0x2];
	[bflag:$0x3] =	sbarrier.arrive $0xFFFF;
	s2 =	simm.s32 @!p0 $0x1C02  }
0x264: {  	[timem:s3], [sflag:s2] =	dma.local @!p0 [hbm:s0], s1  }
0x265: {  	s0 =	simm.s32 @!p0 $0x2  }
0x266: {  	_ =	swait.ge @!p0 [sflag:s0], s1  }
0x267: {  	s1 =	ssub.s32 @!p0 $0x0, s1;
	[sflag:s0] =	ssyncset.done @!p0 $0x0  }
0x268: {  	[sflag:s0] =	ssyncadd.s32 @!p0 s1  }
0x269: {  	[bflag:$0x3] =	sbarrier.arrive $0xFFFF  }
0x26a: {  	_ =	shalt  }

</sc_bundles>
